<compile_context>
chip_gen: v7x
topology: tpu7x:2x2x1
jax: 0.10.2.dev20260603
libtpu: 0.0.44.dev20260713+nightly
codegen_flags: <defaults>
</compile_context>

<pallas_src>
import functools

import jax
import jax.numpy as jnp
from jax import lax
from jax.experimental import pallas as pl
from jax.experimental.pallas import tpu as pltpu
from jax.experimental.pallas import tpu_sc as plsc

_NC = 2
_NS = 16
_CHUNK = 32
_NBUF = 5


@functools.lru_cache(maxsize=None)
def _build_gather(rows, row_len, V, D):
    B = rows * row_len
    NW = _NC * _NS
    assert B % (8 * NW) == 0
    b_per_w = B // NW
    assert row_len % b_per_w == 0
    C = min(_CHUNK, b_per_w)
    n_chunks = b_per_w // C
    assert b_per_w % C == 0

    mesh = plsc.VectorSubcoreMesh(core_axis_name="c", subcore_axis_name="s")

    @functools.partial(
        pl.kernel,
        mesh=mesh,
        out_type=jax.ShapeDtypeStruct((B, D), jnp.float32),
        scratch_types=(
            [pltpu.VMEM((b_per_w,), jnp.int32)]
            + [pltpu.VMEM((C, D), jnp.float32) for _ in range(_NBUF)]
            + [pltpu.SemaphoreType.DMA, pltpu.SemaphoreType.DMA]
        ),
    )
    def gather_kernel(idx_hbm, table_hbm, out_hbm, idx_v, *rest):
        bufs = rest[:_NBUF]
        gsem, osem = rest[_NBUF], rest[_NBUF + 1]
        wid = lax.axis_index("c") * _NS + lax.axis_index("s")
        base = wid * b_per_w
        row_len = idx_hbm.shape[1]
        pltpu.sync_copy(
            idx_hbm.at[base // row_len, pl.ds(base % row_len, b_per_w)],
            idx_v)

        def gather(c, buf):
            return pltpu.async_copy(
                table_hbm.at[idx_v.at[pl.ds(c * C, C)]], buf, gsem)

        def put(c, buf):
            return pltpu.async_copy(
                buf, out_hbm.at[pl.ds(base + c * C, C)], osem)

        g = [None] * n_chunks
        o = [None] * n_chunks
        waited = [False] * n_chunks
        for c in range(min(_NBUF, n_chunks)):
            g[c] = gather(c, bufs[c % _NBUF])
        for c in range(n_chunks):
            buf = bufs[c % _NBUF]
            g[c].wait()
            o[c] = put(c, buf)
            nxt = c + _NBUF - 1
            if nxt < n_chunks and nxt >= _NBUF:
                free_chunk = nxt - _NBUF
                o[free_chunk].wait()
                waited[free_chunk] = True
                g[nxt] = gather(nxt, bufs[nxt % _NBUF])
        for c in range(n_chunks):
            if not waited[c]:
                o[c].wait()

    return gather_kernel


def kernel(x, embs):
    rows, row_len = x.shape
    V, D = embs.shape
    out = _build_gather(rows, row_len, V, D)(x.astype(jnp.int32), embs)
    return out.reshape(rows, row_len, D)

# --- scband reference (transcript-rebuilt; emitter-appended) ---
"""Pipeline reference for scband-embeddings-33414845563602 (READ-ONLY COPY).

The authoritative reference and input builder live on the scoring server;
editing this copy changes nothing except your own understanding.
"""

import jax, jax.numpy as jnp
import numpy as np

N_VOCAB = 100000
D_MODEL = 768
E_INIT = 0.02
B_INIT = 0.0

def setup_inputs(seed: int = 0) -> dict:
    key = jax.random.key(seed)
    k_x, k_e, k_b = jax.random.split(key, 3)
    x = jax.random.randint(k_x, (4, 4096), 0, N_VOCAB, dtype=jnp.int64 if jax.config.jax_enable_x64 else jnp.int32)
    embs = jax.random.normal(k_e, (N_VOCAB, D_MODEL), dtype=jnp.float32) * E_INIT
    return {"x": x, "embs": embs}

def reference(x, embs):
    # Faithful translation of Embeddings.forward: x = self.embs[x]
    out = jnp.take(embs, x, axis=0)
    return out

if __name__ == "__main__":
    import jax
    _d = setup_inputs()
    print(jax.jit(kernel)(*tuple(_d.values())))

</pallas_src>

<mosaic_0001>
#map = affine_map<(d0, d1) -> (0, 0)>
module attributes {stable_mosaic.version = 14 : i64} {
  func.func @gather_kernel(%arg0: i32, %arg1: i32, %arg2: memref<4x4096xi32, #tpu.memory_space<hbm>>, %arg3: memref<100000x768xf32, #tpu.memory_space<hbm>>, %arg4: memref<16384x768xf32, #tpu.memory_space<hbm>>, %arg5: memref<512xi32, #tpu.memory_space<vmem>>, %arg6: memref<32x768xf32, #tpu.memory_space<vmem>>, %arg7: memref<32x768xf32, #tpu.memory_space<vmem>>, %arg8: memref<32x768xf32, #tpu.memory_space<vmem>>, %arg9: memref<32x768xf32, #tpu.memory_space<vmem>>, %arg10: memref<32x768xf32, #tpu.memory_space<vmem>>, %arg11: memref<!tpu.dma_semaphore, #tpu.memory_space<semaphore_mem>>, %arg12: memref<!tpu.dma_semaphore, #tpu.memory_space<semaphore_mem>>) attributes {dimension_semantics = [#tpu.dimension_semantics<core_parallel>, #tpu.dimension_semantics<subcore_parallel>], iteration_bounds = array<i64: 2, 16>, scalar_prefetch = 0 : i64, scratch_operands = 8 : i64, tpu.core_type = #tpu.core_type<sc_vector_subcore>, window_params = [{transform_indices = #map}, {transform_indices = #map}, {transform_indices = #map}]} {
    %mul3A = arith.constant 16 : i32
    %mul3A_0 = arith.muli %arg0, %mul3A : i32
    %add3A = arith.addi %mul3A_0, %arg1 : i32
    %mul3A_1 = arith.constant 512 : i32
    %mul3A_2 = arith.muli %add3A, %mul3A_1 : i32
    %jit3A = arith.constant 4096 : i32
    %div3A = arith.divsi %mul3A_2, %jit3A : i32
    %sign3A = arith.constant 0 : i32
    %sign3A_3 = arith.cmpi sgt, %mul3A_2, %sign3A : i32
    %sign3A_4 = arith.extui %sign3A_3 : i1 to i32
    %sign3A_5 = arith.constant 0 : i32
    %sign3A_6 = arith.cmpi slt, %mul3A_2, %sign3A_5 : i32
    %sign3A_7 = arith.extui %sign3A_6 : i1 to i32
    %sign3A_8 = arith.subi %sign3A_4, %sign3A_7 : i32
    %sign3A_9 = arith.constant 0 : i32
    %sign3A_10 = arith.cmpi sgt, %jit3A, %sign3A_9 : i32
    %sign3A_11 = arith.extui %sign3A_10 : i1 to i32
    %sign3A_12 = arith.constant 0 : i32
    %sign3A_13 = arith.cmpi slt, %jit3A, %sign3A_12 : i32
    %sign3A_14 = arith.extui %sign3A_13 : i1 to i32
    %sign3A_15 = arith.subi %sign3A_11, %sign3A_14 : i32
    %ne3A = arith.cmpi ne, %sign3A_8, %sign3A_15 : i32
    %rem3A = arith.remsi %mul3A_2, %jit3A : i32
    %ne3A_16 = arith.constant 0 : i32
    %ne3A_17 = arith.cmpi ne, %rem3A, %ne3A_16 : i32
    %and3A = arith.andi %ne3A, %ne3A_17 : i1
    %sub3A = arith.constant 1 : i32
    %sub3A_18 = arith.subi %div3A, %sub3A : i32
    %select_n3A = arith.select %and3A, %sub3A_18, %div3A : i32
    %jit3A_19 = arith.constant 4096 : i32
    %eq3A = arith.constant 0 : i32
    %eq3A_20 = arith.cmpi eq, %jit3A_19, %eq3A : i32
    %jit3A_21 = arith.constant 1 : i32
    %select_n3A_22 = arith.select %eq3A_20, %jit3A_21, %jit3A_19 : i32
    %rem3A_23 = arith.remsi %mul3A_2, %select_n3A_22 : i32
    %ne3A_24 = arith.constant 0 : i32
    %ne3A_25 = arith.cmpi ne, %rem3A_23, %ne3A_24 : i32
    %lt3A = arith.constant 0 : i32
    %lt3A_26 = arith.cmpi slt, %rem3A_23, %lt3A : i32
    %lt3A_27 = arith.constant 0 : i32
    %lt3A_28 = arith.cmpi slt, %select_n3A_22, %lt3A_27 : i32
    %ne3A_29 = arith.xori %lt3A_26, %lt3A_28 : i1
    %and3A_30 = arith.andi %ne3A_29, %ne3A_25 : i1
    %add3A_31 = arith.addi %rem3A_23, %select_n3A_22 : i32
    %select_n3A_32 = arith.select %and3A_30, %add3A_31, %rem3A_23 : i32
    "tpu.region"() ({
      %run_scoped3A = tpu.sem_alloc : memref<!tpu.dma_semaphore, #tpu.memory_space<semaphore_mem>>
      %dma_start3A_351 = tpu.memref_slice %arg2[%select_n3A, %select_n3A_32] : memref<4x4096xi32, #tpu.memory_space<hbm>> -> memref<1x512xi32, #tpu.memory_space<hbm>>
      %dma_start3A_352 = tpu.memref_squeeze %dma_start3A_351 : memref<1x512xi32, #tpu.memory_space<hbm>> -> memref<512xi32, #tpu.memory_space<hbm>>
      %dma_start3A_353 = tpu.memref_slice %arg2[%select_n3A, %select_n3A_32] : memref<4x4096xi32, #tpu.memory_space<hbm>> -> memref<1x512xi32, #tpu.memory_space<hbm>>
      %dma_start3A_354 = tpu.memref_squeeze %dma_start3A_353 : memref<1x512xi32, #tpu.memory_space<hbm>> -> memref<512xi32, #tpu.memory_space<hbm>>
      tpu.enqueue_dma source(%dma_start3A_354 : memref<512xi32, #tpu.memory_space<hbm>>) target(%arg5 : memref<512xi32, #tpu.memory_space<vmem>>) target_semaphore(%run_scoped3A : memref<!tpu.dma_semaphore, #tpu.memory_space<semaphore_mem>>)
      %dma_wait3A_355 = tpu.memref_slice %arg2[%select_n3A, %select_n3A_32] : memref<4x4096xi32, #tpu.memory_space<hbm>> -> memref<1x512xi32, #tpu.memory_space<hbm>>
      %dma_wait3A_356 = tpu.memref_squeeze %dma_wait3A_355 : memref<1x512xi32, #tpu.memory_space<hbm>> -> memref<512xi32, #tpu.memory_space<hbm>>
      %dma_wait3A_357 = tpu.memref_slice %arg2[%select_n3A, %select_n3A_32] : memref<4x4096xi32, #tpu.memory_space<hbm>> -> memref<1x512xi32, #tpu.memory_space<hbm>>
      %dma_wait3A_358 = tpu.memref_squeeze %dma_wait3A_357 : memref<1x512xi32, #tpu.memory_space<hbm>> -> memref<512xi32, #tpu.memory_space<hbm>>
      tpu.wait_dma2 semaphore(%run_scoped3A : memref<!tpu.dma_semaphore, #tpu.memory_space<semaphore_mem>>) src(%dma_wait3A_358 : memref<512xi32, #tpu.memory_space<hbm>>) dst(%arg5 : memref<512xi32, #tpu.memory_space<vmem>>)
      tpu.yield
    }) : () -> ()
    %dma_start3A = arith.constant 0 : i32
    %dma_start3A_33 = tpu.memref_slice %arg5[%dma_start3A] : memref<512xi32, #tpu.memory_space<vmem>> -> memref<32xi32, #tpu.memory_space<vmem>>
    %dma_start3A_34 = arith.constant 0 : i32
    %dma_start3A_35 = arith.constant 0 : i32
    %dma_start3A_36 = tpu.memref_slice %arg3[%dma_start3A_34, %dma_start3A_35] : memref<100000x768xf32, #tpu.memory_space<hbm>> -> memref<100000x768xf32, #tpu.memory_space<hbm>>
    tpu.enqueue_indirect_dma source(%dma_start3A_36 : memref<100000x768xf32, #tpu.memory_space<hbm>>) target(%arg6 : memref<32x768xf32, #tpu.memory_space<vmem>>) offsets(%dma_start3A_33 : memref<32xi32, #tpu.memory_space<vmem>>) semaphore(%arg11 : memref<!tpu.dma_semaphore, #tpu.memory_space<semaphore_mem>>)
    %dma_start3A_37 = arith.constant 32 : i32
    %dma_start3A_38 = tpu.memref_slice %arg5[%dma_start3A_37] : memref<512xi32, #tpu.memory_space<vmem>> -> memref<32xi32, #tpu.memory_space<vmem>>
    %dma_start3A_39 = arith.constant 0 : i32
    %dma_start3A_40 = arith.constant 0 : i32
    %dma_start3A_41 = tpu.memref_slice %arg3[%dma_start3A_39, %dma_start3A_40] : memref<100000x768xf32, #tpu.memory_space<hbm>> -> memref<100000x768xf32, #tpu.memory_space<hbm>>
    tpu.enqueue_indirect_dma source(%dma_start3A_41 : memref<100000x768xf32, #tpu.memory_space<hbm>>) target(%arg7 : memref<32x768xf32, #tpu.memory_space<vmem>>) offsets(%dma_start3A_38 : memref<32xi32, #tpu.memory_space<vmem>>) semaphore(%arg11 : memref<!tpu.dma_semaphore, #tpu.memory_space<semaphore_mem>>)
    %dma_start3A_42 = arith.constant 64 : i32
    %dma_start3A_43 = tpu.memref_slice %arg5[%dma_start3A_42] : memref<512xi32, #tpu.memory_space<vmem>> -> memref<32xi32, #tpu.memory_space<vmem>>
    %dma_start3A_44 = arith.constant 0 : i32
    %dma_start3A_45 = arith.constant 0 : i32
    %dma_start3A_46 = tpu.memref_slice %arg3[%dma_start3A_44, %dma_start3A_45] : memref<100000x768xf32, #tpu.memory_space<hbm>> -> memref<100000x768xf32, #tpu.memory_space<hbm>>
    tpu.enqueue_indirect_dma source(%dma_start3A_46 : memref<100000x768xf32, #tpu.memory_space<hbm>>) target(%arg8 : memref<32x768xf32, #tpu.memory_space<vmem>>) offsets(%dma_start3A_43 : memref<32xi32, #tpu.memory_space<vmem>>) semaphore(%arg11 : memref<!tpu.dma_semaphore, #tpu.memory_space<semaphore_mem>>)
    %dma_start3A_47 = arith.constant 96 : i32
    %dma_start3A_48 = tpu.memref_slice %arg5[%dma_start3A_47] : memref<512xi32, #tpu.memory_space<vmem>> -> memref<32xi32, #tpu.memory_space<vmem>>
    %dma_start3A_49 = arith.constant 0 : i32
    %dma_start3A_50 = arith.constant 0 : i32
    %dma_start3A_51 = tpu.memref_slice %arg3[%dma_start3A_49, %dma_start3A_50] : memref<100000x768xf32, #tpu.memory_space<hbm>> -> memref<100000x768xf32, #tpu.memory_space<hbm>>
    tpu.enqueue_indirect_dma source(%dma_start3A_51 : memref<100000x768xf32, #tpu.memory_space<hbm>>) target(%arg9 : memref<32x768xf32, #tpu.memory_space<vmem>>) offsets(%dma_start3A_48 : memref<32xi32, #tpu.memory_space<vmem>>) semaphore(%arg11 : memref<!tpu.dma_semaphore, #tpu.memory_space<semaphore_mem>>)
    %dma_start3A_52 = arith.constant 128 : i32
    %dma_start3A_53 = tpu.memref_slice %arg5[%dma_start3A_52] : memref<512xi32, #tpu.memory_space<vmem>> -> memref<32xi32, #tpu.memory_space<vmem>>
    %dma_start3A_54 = arith.constant 0 : i32
    %dma_start3A_55 = arith.constant 0 : i32
    %dma_start3A_56 = tpu.memref_slice %arg3[%dma_start3A_54, %dma_start3A_55] : memref<100000x768xf32, #tpu.memory_space<hbm>> -> memref<100000x768xf32, #tpu.memory_space<hbm>>
    tpu.enqueue_indirect_dma source(%dma_start3A_56 : memref<100000x768xf32, #tpu.memory_space<hbm>>) target(%arg10 : memref<32x768xf32, #tpu.memory_space<vmem>>) offsets(%dma_start3A_53 : memref<32xi32, #tpu.memory_space<vmem>>) semaphore(%arg11 : memref<!tpu.dma_semaphore, #tpu.memory_space<semaphore_mem>>)
    %dma_wait3A = arith.constant 0 : i32
    %dma_wait3A_57 = tpu.memref_slice %arg5[%dma_wait3A] : memref<512xi32, #tpu.memory_space<vmem>> -> memref<32xi32, #tpu.memory_space<vmem>>
    %dma_wait3A_58 = arith.constant 0 : i32
    %dma_wait3A_59 = arith.constant 0 : i32
    %dma_wait3A_60 = tpu.memref_slice %arg3[%dma_wait3A_58, %dma_wait3A_59] : memref<100000x768xf32, #tpu.memory_space<hbm>> -> memref<100000x768xf32, #tpu.memory_space<hbm>>
    tpu.wait_indirect_dma semaphore(%arg11 : memref<!tpu.dma_semaphore, #tpu.memory_space<semaphore_mem>>) src(%dma_wait3A_60 : memref<100000x768xf32, #tpu.memory_space<hbm>>) dst(%arg6 : memref<32x768xf32, #tpu.memory_space<vmem>>)
    %add3A_61 = arith.constant 0 : i32
    %add3A_62 = arith.addi %mul3A_2, %add3A_61 : i32
    %dma_start3A_63 = arith.constant 0 : i32
    %dma_start3A_64 = tpu.memref_slice %arg4[%add3A_62, %dma_start3A_63] : memref<16384x768xf32, #tpu.memory_space<hbm>> -> memref<32x768xf32, #tpu.memory_space<hbm>>
    %dma_start3A_65 = arith.constant 0 : i32
    %dma_start3A_66 = tpu.memref_slice %arg4[%add3A_62, %dma_start3A_65] : memref<16384x768xf32, #tpu.memory_space<hbm>> -> memref<32x768xf32, #tpu.memory_space<hbm>>
    tpu.enqueue_dma source(%arg6 : memref<32x768xf32, #tpu.memory_space<vmem>>) target(%dma_start3A_66 : memref<32x768xf32, #tpu.memory_space<hbm>>) target_semaphore(%arg12 : memref<!tpu.dma_semaphore, #tpu.memory_space<semaphore_mem>>)
    %dma_wait3A_67 = arith.constant 32 : i32
    %dma_wait3A_68 = tpu.memref_slice %arg5[%dma_wait3A_67] : memref<512xi32, #tpu.memory_space<vmem>> -> memref<32xi32, #tpu.memory_space<vmem>>
    %dma_wait3A_69 = arith.constant 0 : i32
    %dma_wait3A_70 = arith.constant 0 : i32
    %dma_wait3A_71 = tpu.memref_slice %arg3[%dma_wait3A_69, %dma_wait3A_70] : memref<100000x768xf32, #tpu.memory_space<hbm>> -> memref<100000x768xf32, #tpu.memory_space<hbm>>
    tpu.wait_indirect_dma semaphore(%arg11 : memref<!tpu.dma_semaphore, #tpu.memory_space<semaphore_mem>>) src(%dma_wait3A_71 : memref<100000x768xf32, #tpu.memory_space<hbm>>) dst(%arg7 : memref<32x768xf32, #tpu.memory_space<vmem>>)
    %add3A_72 = arith.constant 32 : i32
    %add3A_73 = arith.addi %mul3A_2, %add3A_72 : i32
    %dma_start3A_74 = arith.constant 0 : i32
    %dma_start3A_75 = tpu.memref_slice %arg4[%add3A_73, %dma_start3A_74] : memref<16384x768xf32, #tpu.memory_space<hbm>> -> memref<32x768xf32, #tpu.memory_space<hbm>>
    %dma_start3A_76 = arith.constant 0 : i32
    %dma_start3A_77 = tpu.memref_slice %arg4[%add3A_73, %dma_start3A_76] : memref<16384x768xf32, #tpu.memory_space<hbm>> -> memref<32x768xf32, #tpu.memory_space<hbm>>
    tpu.enqueue_dma source(%arg7 : memref<32x768xf32, #tpu.memory_space<vmem>>) target(%dma_start3A_77 : memref<32x768xf32, #tpu.memory_space<hbm>>) target_semaphore(%arg12 : memref<!tpu.dma_semaphore, #tpu.memory_space<semaphore_mem>>)
    %dma_wait3A_78 = arith.constant 0 : i32
    %dma_wait3A_79 = tpu.memref_slice %arg4[%add3A_62, %dma_wait3A_78] : memref<16384x768xf32, #tpu.memory_space<hbm>> -> memref<32x768xf32, #tpu.memory_space<hbm>>
    %dma_wait3A_80 = arith.constant 0 : i32
    %dma_wait3A_81 = tpu.memref_slice %arg4[%add3A_62, %dma_wait3A_80] : memref<16384x768xf32, #tpu.memory_space<hbm>> -> memref<32x768xf32, #tpu.memory_space<hbm>>
    tpu.wait_dma2 semaphore(%arg12 : memref<!tpu.dma_semaphore, #tpu.memory_space<semaphore_mem>>) src(%arg6 : memref<32x768xf32, #tpu.memory_space<vmem>>) dst(%dma_wait3A_81 : memref<32x768xf32, #tpu.memory_space<hbm>>)
    %dma_start3A_82 = arith.constant 160 : i32
    %dma_start3A_83 = tpu.memref_slice %arg5[%dma_start3A_82] : memref<512xi32, #tpu.memory_space<vmem>> -> memref<32xi32, #tpu.memory_space<vmem>>
    %dma_start3A_84 = arith.constant 0 : i32
    %dma_start3A_85 = arith.constant 0 : i32
    %dma_start3A_86 = tpu.memref_slice %arg3[%dma_start3A_84, %dma_start3A_85] : memref<100000x768xf32, #tpu.memory_space<hbm>> -> memref<100000x768xf32, #tpu.memory_space<hbm>>
    tpu.enqueue_indirect_dma source(%dma_start3A_86 : memref<100000x768xf32, #tpu.memory_space<hbm>>) target(%arg6 : memref<32x768xf32, #tpu.memory_space<vmem>>) offsets(%dma_start3A_83 : memref<32xi32, #tpu.memory_space<vmem>>) semaphore(%arg11 : memref<!tpu.dma_semaphore, #tpu.memory_space<semaphore_mem>>)
    %dma_wait3A_87 = arith.constant 64 : i32
    %dma_wait3A_88 = tpu.memref_slice %arg5[%dma_wait3A_87] : memref<512xi32, #tpu.memory_space<vmem>> -> memref<32xi32, #tpu.memory_space<vmem>>
    %dma_wait3A_89 = arith.constant 0 : i32
    %dma_wait3A_90 = arith.constant 0 : i32
    %dma_wait3A_91 = tpu.memref_slice %arg3[%dma_wait3A_89, %dma_wait3A_90] : memref<100000x768xf32, #tpu.memory_space<hbm>> -> memref<100000x768xf32, #tpu.memory_space<hbm>>
    tpu.wait_indirect_dma semaphore(%arg11 : memref<!tpu.dma_semaphore, #tpu.memory_space<semaphore_mem>>) src(%dma_wait3A_91 : memref<100000x768xf32, #tpu.memory_space<hbm>>) dst(%arg8 : memref<32x768xf32, #tpu.memory_space<vmem>>)
    %add3A_92 = arith.constant 64 : i32
    %add3A_93 = arith.addi %mul3A_2, %add3A_92 : i32
    %dma_start3A_94 = arith.constant 0 : i32
    %dma_start3A_95 = tpu.memref_slice %arg4[%add3A_93, %dma_start3A_94] : memref<16384x768xf32, #tpu.memory_space<hbm>> -> memref<32x768xf32, #tpu.memory_space<hbm>>
    %dma_start3A_96 = arith.constant 0 : i32
    %dma_start3A_97 = tpu.memref_slice %arg4[%add3A_93, %dma_start3A_96] : memref<16384x768xf32, #tpu.memory_space<hbm>> -> memref<32x768xf32, #tpu.memory_space<hbm>>
    tpu.enqueue_dma source(%arg8 : memref<32x768xf32, #tpu.memory_space<vmem>>) target(%dma_start3A_97 : memref<32x768xf32, #tpu.memory_space<hbm>>) target_semaphore(%arg12 : memref<!tpu.dma_semaphore, #tpu.memory_space<semaphore_mem>>)
    %dma_wait3A_98 = arith.constant 0 : i32
    %dma_wait3A_99 = tpu.memref_slice %arg4[%add3A_73, %dma_wait3A_98] : memref<16384x768xf32, #tpu.memory_space<hbm>> -> memref<32x768xf32, #tpu.memory_space<hbm>>
    %dma_wait3A_100 = arith.constant 0 : i32
    %dma_wait3A_101 = tpu.memref_slice %arg4[%add3A_73, %dma_wait3A_100] : memref<16384x768xf32, #tpu.memory_space<hbm>> -> memref<32x768xf32, #tpu.memory_space<hbm>>
    tpu.wait_dma2 semaphore(%arg12 : memref<!tpu.dma_semaphore, #tpu.memory_space<semaphore_mem>>) src(%arg7 : memref<32x768xf32, #tpu.memory_space<vmem>>) dst(%dma_wait3A_101 : memref<32x768xf32, #tpu.memory_space<hbm>>)
    %dma_start3A_102 = arith.constant 192 : i32
    %dma_start3A_103 = tpu.memref_slice %arg5[%dma_start3A_102] : memref<512xi32, #tpu.memory_space<vmem>> -> memref<32xi32, #tpu.memory_space<vmem>>
    %dma_start3A_104 = arith.constant 0 : i32
    %dma_start3A_105 = arith.constant 0 : i32
    %dma_start3A_106 = tpu.memref_slice %arg3[%dma_start3A_104, %dma_start3A_105] : memref<100000x768xf32, #tpu.memory_space<hbm>> -> memref<100000x768xf32, #tpu.memory_space<hbm>>
    tpu.enqueue_indirect_dma source(%dma_start3A_106 : memref<100000x768xf32, #tpu.memory_space<hbm>>) target(%arg7 : memref<32x768xf32, #tpu.memory_space<vmem>>) offsets(%dma_start3A_103 : memref<32xi32, #tpu.memory_space<vmem>>) semaphore(%arg11 : memref<!tpu.dma_semaphore, #tpu.memory_space<semaphore_mem>>)
    %dma_wait3A_107 = arith.constant 96 : i32
    %dma_wait3A_108 = tpu.memref_slice %arg5[%dma_wait3A_107] : memref<512xi32, #tpu.memory_space<vmem>> -> memref<32xi32, #tpu.memory_space<vmem>>
    %dma_wait3A_109 = arith.constant 0 : i32
    %dma_wait3A_110 = arith.constant 0 : i32
    %dma_wait3A_111 = tpu.memref_slice %arg3[%dma_wait3A_109, %dma_wait3A_110] : memref<100000x768xf32, #tpu.memory_space<hbm>> -> memref<100000x768xf32, #tpu.memory_space<hbm>>
    tpu.wait_indirect_dma semaphore(%arg11 : memref<!tpu.dma_semaphore, #tpu.memory_space<semaphore_mem>>) src(%dma_wait3A_111 : memref<100000x768xf32, #tpu.memory_space<hbm>>) dst(%arg9 : memref<32x768xf32, #tpu.memory_space<vmem>>)
    %add3A_112 = arith.constant 96 : i32
    %add3A_113 = arith.addi %mul3A_2, %add3A_112 : i32
    %dma_start3A_114 = arith.constant 0 : i32
    %dma_start3A_115 = tpu.memref_slice %arg4[%add3A_113, %dma_start3A_114] : memref<16384x768xf32, #tpu.memory_space<hbm>> -> memref<32x768xf32, #tpu.memory_space<hbm>>
    %dma_start3A_116 = arith.constant 0 : i32
    %dma_start3A_117 = tpu.memref_slice %arg4[%add3A_113, %dma_start3A_116] : memref<16384x768xf32, #tpu.memory_space<hbm>> -> memref<32x768xf32, #tpu.memory_space<hbm>>
    tpu.enqueue_dma source(%arg9 : memref<32x768xf32, #tpu.memory_space<vmem>>) target(%dma_start3A_117 : memref<32x768xf32, #tpu.memory_space<hbm>>) target_semaphore(%arg12 : memref<!tpu.dma_semaphore, #tpu.memory_space<semaphore_mem>>)
    %dma_wait3A_118 = arith.constant 0 : i32
    %dma_wait3A_119 = tpu.memref_slice %arg4[%add3A_93, %dma_wait3A_118] : memref<16384x768xf32, #tpu.memory_space<hbm>> -> memref<32x768xf32, #tpu.memory_space<hbm>>
    %dma_wait3A_120 = arith.constant 0 : i32
    %dma_wait3A_121 = tpu.memref_slice %arg4[%add3A_93, %dma_wait3A_120] : memref<16384x768xf32, #tpu.memory_space<hbm>> -> memref<32x768xf32, #tpu.memory_space<hbm>>
    tpu.wait_dma2 semaphore(%arg12 : memref<!tpu.dma_semaphore, #tpu.memory_space<semaphore_mem>>) src(%arg8 : memref<32x768xf32, #tpu.memory_space<vmem>>) dst(%dma_wait3A_121 : memref<32x768xf32, #tpu.memory_space<hbm>>)
    %dma_start3A_122 = arith.constant 224 : i32
    %dma_start3A_123 = tpu.memref_slice %arg5[%dma_start3A_122] : memref<512xi32, #tpu.memory_space<vmem>> -> memref<32xi32, #tpu.memory_space<vmem>>
    %dma_start3A_124 = arith.constant 0 : i32
    %dma_start3A_125 = arith.constant 0 : i32
    %dma_start3A_126 = tpu.memref_slice %arg3[%dma_start3A_124, %dma_start3A_125] : memref<100000x768xf32, #tpu.memory_space<hbm>> -> memref<100000x768xf32, #tpu.memory_space<hbm>>
    tpu.enqueue_indirect_dma source(%dma_start3A_126 : memref<100000x768xf32, #tpu.memory_space<hbm>>) target(%arg8 : memref<32x768xf32, #tpu.memory_space<vmem>>) offsets(%dma_start3A_123 : memref<32xi32, #tpu.memory_space<vmem>>) semaphore(%arg11 : memref<!tpu.dma_semaphore, #tpu.memory_space<semaphore_mem>>)
    %dma_wait3A_127 = arith.constant 128 : i32
    %dma_wait3A_128 = tpu.memref_slice %arg5[%dma_wait3A_127] : memref<512xi32, #tpu.memory_space<vmem>> -> memref<32xi32, #tpu.memory_space<vmem>>
    %dma_wait3A_129 = arith.constant 0 : i32
    %dma_wait3A_130 = arith.constant 0 : i32
    %dma_wait3A_131 = tpu.memref_slice %arg3[%dma_wait3A_129, %dma_wait3A_130] : memref<100000x768xf32, #tpu.memory_space<hbm>> -> memref<100000x768xf32, #tpu.memory_space<hbm>>
    tpu.wait_indirect_dma semaphore(%arg11 : memref<!tpu.dma_semaphore, #tpu.memory_space<semaphore_mem>>) src(%dma_wait3A_131 : memref<100000x768xf32, #tpu.memory_space<hbm>>) dst(%arg10 : memref<32x768xf32, #tpu.memory_space<vmem>>)
    %add3A_132 = arith.constant 128 : i32
    %add3A_133 = arith.addi %mul3A_2, %add3A_132 : i32
    %dma_start3A_134 = arith.constant 0 : i32
    %dma_start3A_135 = tpu.memref_slice %arg4[%add3A_133, %dma_start3A_134] : memref<16384x768xf32, #tpu.memory_space<hbm>> -> memref<32x768xf32, #tpu.memory_space<hbm>>
    %dma_start3A_136 = arith.constant 0 : i32
    %dma_start3A_137 = tpu.memref_slice %arg4[%add3A_133, %dma_start3A_136] : memref<16384x768xf32, #tpu.memory_space<hbm>> -> memref<32x768xf32, #tpu.memory_space<hbm>>
    tpu.enqueue_dma source(%arg10 : memref<32x768xf32, #tpu.memory_space<vmem>>) target(%dma_start3A_137 : memref<32x768xf32, #tpu.memory_space<hbm>>) target_semaphore(%arg12 : memref<!tpu.dma_semaphore, #tpu.memory_space<semaphore_mem>>)
    %dma_wait3A_138 = arith.constant 0 : i32
    %dma_wait3A_139 = tpu.memref_slice %arg4[%add3A_113, %dma_wait3A_138] : memref<16384x768xf32, #tpu.memory_space<hbm>> -> memref<32x768xf32, #tpu.memory_space<hbm>>
    %dma_wait3A_140 = arith.constant 0 : i32
    %dma_wait3A_141 = tpu.memref_slice %arg4[%add3A_113, %dma_wait3A_140] : memref<16384x768xf32, #tpu.memory_space<hbm>> -> memref<32x768xf32, #tpu.memory_space<hbm>>
    tpu.wait_dma2 semaphore(%arg12 : memref<!tpu.dma_semaphore, #tpu.memory_space<semaphore_mem>>) src(%arg9 : memref<32x768xf32, #tpu.memory_space<vmem>>) dst(%dma_wait3A_141 : memref<32x768xf32, #tpu.memory_space<hbm>>)
    %dma_start3A_142 = arith.constant 256 : i32
    %dma_start3A_143 = tpu.memref_slice %arg5[%dma_start3A_142] : memref<512xi32, #tpu.memory_space<vmem>> -> memref<32xi32, #tpu.memory_space<vmem>>
    %dma_start3A_144 = arith.constant 0 : i32
    %dma_start3A_145 = arith.constant 0 : i32
    %dma_start3A_146 = tpu.memref_slice %arg3[%dma_start3A_144, %dma_start3A_145] : memref<100000x768xf32, #tpu.memory_space<hbm>> -> memref<100000x768xf32, #tpu.memory_space<hbm>>
    tpu.enqueue_indirect_dma source(%dma_start3A_146 : memref<100000x768xf32, #tpu.memory_space<hbm>>) target(%arg9 : memref<32x768xf32, #tpu.memory_space<vmem>>) offsets(%dma_start3A_143 : memref<32xi32, #tpu.memory_space<vmem>>) semaphore(%arg11 : memref<!tpu.dma_semaphore, #tpu.memory_space<semaphore_mem>>)
    %dma_wait3A_147 = arith.constant 160 : i32
    %dma_wait3A_148 = tpu.memref_slice %arg5[%dma_wait3A_147] : memref<512xi32, #tpu.memory_space<vmem>> -> memref<32xi32, #tpu.memory_space<vmem>>
    %dma_wait3A_149 = arith.constant 0 : i32
    %dma_wait3A_150 = arith.constant 0 : i32
    %dma_wait3A_151 = tpu.memref_slice %arg3[%dma_wait3A_149, %dma_wait3A_150] : memref<100000x768xf32, #tpu.memory_space<hbm>> -> memref<100000x768xf32, #tpu.memory_space<hbm>>
    tpu.wait_indirect_dma semaphore(%arg11 : memref<!tpu.dma_semaphore, #tpu.memory_space<semaphore_mem>>) src(%dma_wait3A_151 : memref<100000x768xf32, #tpu.memory_space<hbm>>) dst(%arg6 : memref<32x768xf32, #tpu.memory_space<vmem>>)
    %add3A_152 = arith.constant 160 : i32
    %add3A_153 = arith.addi %mul3A_2, %add3A_152 : i32
    %dma_start3A_154 = arith.constant 0 : i32
    %dma_start3A_155 = tpu.memref_slice %arg4[%add3A_153, %dma_start3A_154] : memref<16384x768xf32, #tpu.memory_space<hbm>> -> memref<32x768xf32, #tpu.memory_space<hbm>>
    %dma_start3A_156 = arith.constant 0 : i32
    %dma_start3A_157 = tpu.memref_slice %arg4[%add3A_153, %dma_start3A_156] : memref<16384x768xf32, #tpu.memory_space<hbm>> -> memref<32x768xf32, #tpu.memory_space<hbm>>
    tpu.enqueue_dma source(%arg6 : memref<32x768xf32, #tpu.memory_space<vmem>>) target(%dma_start3A_157 : memref<32x768xf32, #tpu.memory_space<hbm>>) target_semaphore(%arg12 : memref<!tpu.dma_semaphore, #tpu.memory_space<semaphore_mem>>)
    %dma_wait3A_158 = arith.constant 0 : i32
    %dma_wait3A_159 = tpu.memref_slice %arg4[%add3A_133, %dma_wait3A_158] : memref<16384x768xf32, #tpu.memory_space<hbm>> -> memref<32x768xf32, #tpu.memory_space<hbm>>
    %dma_wait3A_160 = arith.constant 0 : i32
    %dma_wait3A_161 = tpu.memref_slice %arg4[%add3A_133, %dma_wait3A_160] : memref<16384x768xf32, #tpu.memory_space<hbm>> -> memref<32x768xf32, #tpu.memory_space<hbm>>
    tpu.wait_dma2 semaphore(%arg12 : memref<!tpu.dma_semaphore, #tpu.memory_space<semaphore_mem>>) src(%arg10 : memref<32x768xf32, #tpu.memory_space<vmem>>) dst(%dma_wait3A_161 : memref<32x768xf32, #tpu.memory_space<hbm>>)
    %dma_start3A_162 = arith.constant 288 : i32
    %dma_start3A_163 = tpu.memref_slice %arg5[%dma_start3A_162] : memref<512xi32, #tpu.memory_space<vmem>> -> memref<32xi32, #tpu.memory_space<vmem>>
    %dma_start3A_164 = arith.constant 0 : i32
    %dma_start3A_165 = arith.constant 0 : i32
    %dma_start3A_166 = tpu.memref_slice %arg3[%dma_start3A_164, %dma_start3A_165] : memref<100000x768xf32, #tpu.memory_space<hbm>> -> memref<100000x768xf32, #tpu.memory_space<hbm>>
    tpu.enqueue_indirect_dma source(%dma_start3A_166 : memref<100000x768xf32, #tpu.memory_space<hbm>>) target(%arg10 : memref<32x768xf32, #tpu.memory_space<vmem>>) offsets(%dma_start3A_163 : memref<32xi32, #tpu.memory_space<vmem>>) semaphore(%arg11 : memref<!tpu.dma_semaphore, #tpu.memory_space<semaphore_mem>>)
    %dma_wait3A_167 = arith.constant 192 : i32
    %dma_wait3A_168 = tpu.memref_slice %arg5[%dma_wait3A_167] : memref<512xi32, #tpu.memory_space<vmem>> -> memref<32xi32, #tpu.memory_space<vmem>>
    %dma_wait3A_169 = arith.constant 0 : i32
    %dma_wait3A_170 = arith.constant 0 : i32
    %dma_wait3A_171 = tpu.memref_slice %arg3[%dma_wait3A_169, %dma_wait3A_170] : memref<100000x768xf32, #tpu.memory_space<hbm>> -> memref<100000x768xf32, #tpu.memory_space<hbm>>
    tpu.wait_indirect_dma semaphore(%arg11 : memref<!tpu.dma_semaphore, #tpu.memory_space<semaphore_mem>>) src(%dma_wait3A_171 : memref<100000x768xf32, #tpu.memory_space<hbm>>) dst(%arg7 : memref<32x768xf32, #tpu.memory_space<vmem>>)
    %add3A_172 = arith.constant 192 : i32
    %add3A_173 = arith.addi %mul3A_2, %add3A_172 : i32
    %dma_start3A_174 = arith.constant 0 : i32
    %dma_start3A_175 = tpu.memref_slice %arg4[%add3A_173, %dma_start3A_174] : memref<16384x768xf32, #tpu.memory_space<hbm>> -> memref<32x768xf32, #tpu.memory_space<hbm>>
    %dma_start3A_176 = arith.constant 0 : i32
    %dma_start3A_177 = tpu.memref_slice %arg4[%add3A_173, %dma_start3A_176] : memref<16384x768xf32, #tpu.memory_space<hbm>> -> memref<32x768xf32, #tpu.memory_space<hbm>>
    tpu.enqueue_dma source(%arg7 : memref<32x768xf32, #tpu.memory_space<vmem>>) target(%dma_start3A_177 : memref<32x768xf32, #tpu.memory_space<hbm>>) target_semaphore(%arg12 : memref<!tpu.dma_semaphore, #tpu.memory_space<semaphore_mem>>)
    %dma_wait3A_178 = arith.constant 0 : i32
    %dma_wait3A_179 = tpu.memref_slice %arg4[%add3A_153, %dma_wait3A_178] : memref<16384x768xf32, #tpu.memory_space<hbm>> -> memref<32x768xf32, #tpu.memory_space<hbm>>
    %dma_wait3A_180 = arith.constant 0 : i32
    %dma_wait3A_181 = tpu.memref_slice %arg4[%add3A_153, %dma_wait3A_180] : memref<16384x768xf32, #tpu.memory_space<hbm>> -> memref<32x768xf32, #tpu.memory_space<hbm>>
    tpu.wait_dma2 semaphore(%arg12 : memref<!tpu.dma_semaphore, #tpu.memory_space<semaphore_mem>>) src(%arg6 : memref<32x768xf32, #tpu.memory_space<vmem>>) dst(%dma_wait3A_181 : memref<32x768xf32, #tpu.memory_space<hbm>>)
    %dma_start3A_182 = arith.constant 320 : i32
    %dma_start3A_183 = tpu.memref_slice %arg5[%dma_start3A_182] : memref<512xi32, #tpu.memory_space<vmem>> -> memref<32xi32, #tpu.memory_space<vmem>>
    %dma_start3A_184 = arith.constant 0 : i32
    %dma_start3A_185 = arith.constant 0 : i32
    %dma_start3A_186 = tpu.memref_slice %arg3[%dma_start3A_184, %dma_start3A_185] : memref<100000x768xf32, #tpu.memory_space<hbm>> -> memref<100000x768xf32, #tpu.memory_space<hbm>>
    tpu.enqueue_indirect_dma source(%dma_start3A_186 : memref<100000x768xf32, #tpu.memory_space<hbm>>) target(%arg6 : memref<32x768xf32, #tpu.memory_space<vmem>>) offsets(%dma_start3A_183 : memref<32xi32, #tpu.memory_space<vmem>>) semaphore(%arg11 : memref<!tpu.dma_semaphore, #tpu.memory_space<semaphore_mem>>)
    %dma_wait3A_187 = arith.constant 224 : i32
    %dma_wait3A_188 = tpu.memref_slice %arg5[%dma_wait3A_187] : memref<512xi32, #tpu.memory_space<vmem>> -> memref<32xi32, #tpu.memory_space<vmem>>
    %dma_wait3A_189 = arith.constant 0 : i32
    %dma_wait3A_190 = arith.constant 0 : i32
    %dma_wait3A_191 = tpu.memref_slice %arg3[%dma_wait3A_189, %dma_wait3A_190] : memref<100000x768xf32, #tpu.memory_space<hbm>> -> memref<100000x768xf32, #tpu.memory_space<hbm>>
    tpu.wait_indirect_dma semaphore(%arg11 : memref<!tpu.dma_semaphore, #tpu.memory_space<semaphore_mem>>) src(%dma_wait3A_191 : memref<100000x768xf32, #tpu.memory_space<hbm>>) dst(%arg8 : memref<32x768xf32, #tpu.memory_space<vmem>>)
    %add3A_192 = arith.constant 224 : i32
    %add3A_193 = arith.addi %mul3A_2, %add3A_192 : i32
    %dma_start3A_194 = arith.constant 0 : i32
    %dma_start3A_195 = tpu.memref_slice %arg4[%add3A_193, %dma_start3A_194] : memref<16384x768xf32, #tpu.memory_space<hbm>> -> memref<32x768xf32, #tpu.memory_space<hbm>>
    %dma_start3A_196 = arith.constant 0 : i32
    %dma_start3A_197 = tpu.memref_slice %arg4[%add3A_193, %dma_start3A_196] : memref<16384x768xf32, #tpu.memory_space<hbm>> -> memref<32x768xf32, #tpu.memory_space<hbm>>
    tpu.enqueue_dma source(%arg8 : memref<32x768xf32, #tpu.memory_space<vmem>>) target(%dma_start3A_197 : memref<32x768xf32, #tpu.memory_space<hbm>>) target_semaphore(%arg12 : memref<!tpu.dma_semaphore, #tpu.memory_space<semaphore_mem>>)
    %dma_wait3A_198 = arith.constant 0 : i32
    %dma_wait3A_199 = tpu.memref_slice %arg4[%add3A_173, %dma_wait3A_198] : memref<16384x768xf32, #tpu.memory_space<hbm>> -> memref<32x768xf32, #tpu.memory_space<hbm>>
    %dma_wait3A_200 = arith.constant 0 : i32
    %dma_wait3A_201 = tpu.memref_slice %arg4[%add3A_173, %dma_wait3A_200] : memref<16384x768xf32, #tpu.memory_space<hbm>> -> memref<32x768xf32, #tpu.memory_space<hbm>>
    tpu.wait_dma2 semaphore(%arg12 : memref<!tpu.dma_semaphore, #tpu.memory_space<semaphore_mem>>) src(%arg7 : memref<32x768xf32, #tpu.memory_space<vmem>>) dst(%dma_wait3A_201 : memref<32x768xf32, #tpu.memory_space<hbm>>)
    %dma_start3A_202 = arith.constant 352 : i32
    %dma_start3A_203 = tpu.memref_slice %arg5[%dma_start3A_202] : memref<512xi32, #tpu.memory_space<vmem>> -> memref<32xi32, #tpu.memory_space<vmem>>
    %dma_start3A_204 = arith.constant 0 : i32
    %dma_start3A_205 = arith.constant 0 : i32
    %dma_start3A_206 = tpu.memref_slice %arg3[%dma_start3A_204, %dma_start3A_205] : memref<100000x768xf32, #tpu.memory_space<hbm>> -> memref<100000x768xf32, #tpu.memory_space<hbm>>
    tpu.enqueue_indirect_dma source(%dma_start3A_206 : memref<100000x768xf32, #tpu.memory_space<hbm>>) target(%arg7 : memref<32x768xf32, #tpu.memory_space<vmem>>) offsets(%dma_start3A_203 : memref<32xi32, #tpu.memory_space<vmem>>) semaphore(%arg11 : memref<!tpu.dma_semaphore, #tpu.memory_space<semaphore_mem>>)
    %dma_wait3A_207 = arith.constant 256 : i32
    %dma_wait3A_208 = tpu.memref_slice %arg5[%dma_wait3A_207] : memref<512xi32, #tpu.memory_space<vmem>> -> memref<32xi32, #tpu.memory_space<vmem>>
    %dma_wait3A_209 = arith.constant 0 : i32
    %dma_wait3A_210 = arith.constant 0 : i32
    %dma_wait3A_211 = tpu.memref_slice %arg3[%dma_wait3A_209, %dma_wait3A_210] : memref<100000x768xf32, #tpu.memory_space<hbm>> -> memref<100000x768xf32, #tpu.memory_space<hbm>>
    tpu.wait_indirect_dma semaphore(%arg11 : memref<!tpu.dma_semaphore, #tpu.memory_space<semaphore_mem>>) src(%dma_wait3A_211 : memref<100000x768xf32, #tpu.memory_space<hbm>>) dst(%arg9 : memref<32x768xf32, #tpu.memory_space<vmem>>)
    %add3A_212 = arith.constant 256 : i32
    %add3A_213 = arith.addi %mul3A_2, %add3A_212 : i32
    %dma_start3A_214 = arith.constant 0 : i32
    %dma_start3A_215 = tpu.memref_slice %arg4[%add3A_213, %dma_start3A_214] : memref<16384x768xf32, #tpu.memory_space<hbm>> -> memref<32x768xf32, #tpu.memory_space<hbm>>
    %dma_start3A_216 = arith.constant 0 : i32
    %dma_start3A_217 = tpu.memref_slice %arg4[%add3A_213, %dma_start3A_216] : memref<16384x768xf32, #tpu.memory_space<hbm>> -> memref<32x768xf32, #tpu.memory_space<hbm>>
    tpu.enqueue_dma source(%arg9 : memref<32x768xf32, #tpu.memory_space<vmem>>) target(%dma_start3A_217 : memref<32x768xf32, #tpu.memory_space<hbm>>) target_semaphore(%arg12 : memref<!tpu.dma_semaphore, #tpu.memory_space<semaphore_mem>>)
    %dma_wait3A_218 = arith.constant 0 : i32
    %dma_wait3A_219 = tpu.memref_slice %arg4[%add3A_193, %dma_wait3A_218] : memref<16384x768xf32, #tpu.memory_space<hbm>> -> memref<32x768xf32, #tpu.memory_space<hbm>>
    %dma_wait3A_220 = arith.constant 0 : i32
    %dma_wait3A_221 = tpu.memref_slice %arg4[%add3A_193, %dma_wait3A_220] : memref<16384x768xf32, #tpu.memory_space<hbm>> -> memref<32x768xf32, #tpu.memory_space<hbm>>
    tpu.wait_dma2 semaphore(%arg12 : memref<!tpu.dma_semaphore, #tpu.memory_space<semaphore_mem>>) src(%arg8 : memref<32x768xf32, #tpu.memory_space<vmem>>) dst(%dma_wait3A_221 : memref<32x768xf32, #tpu.memory_space<hbm>>)
    %dma_start3A_222 = arith.constant 384 : i32
    %dma_start3A_223 = tpu.memref_slice %arg5[%dma_start3A_222] : memref<512xi32, #tpu.memory_space<vmem>> -> memref<32xi32, #tpu.memory_space<vmem>>
    %dma_start3A_224 = arith.constant 0 : i32
    %dma_start3A_225 = arith.constant 0 : i32
    %dma_start3A_226 = tpu.memref_slice %arg3[%dma_start3A_224, %dma_start3A_225] : memref<100000x768xf32, #tpu.memory_space<hbm>> -> memref<100000x768xf32, #tpu.memory_space<hbm>>
    tpu.enqueue_indirect_dma source(%dma_start3A_226 : memref<100000x768xf32, #tpu.memory_space<hbm>>) target(%arg8 : memref<32x768xf32, #tpu.memory_space<vmem>>) offsets(%dma_start3A_223 : memref<32xi32, #tpu.memory_space<vmem>>) semaphore(%arg11 : memref<!tpu.dma_semaphore, #tpu.memory_space<semaphore_mem>>)
    %dma_wait3A_227 = arith.constant 288 : i32
    %dma_wait3A_228 = tpu.memref_slice %arg5[%dma_wait3A_227] : memref<512xi32, #tpu.memory_space<vmem>> -> memref<32xi32, #tpu.memory_space<vmem>>
    %dma_wait3A_229 = arith.constant 0 : i32
    %dma_wait3A_230 = arith.constant 0 : i32
    %dma_wait3A_231 = tpu.memref_slice %arg3[%dma_wait3A_229, %dma_wait3A_230] : memref<100000x768xf32, #tpu.memory_space<hbm>> -> memref<100000x768xf32, #tpu.memory_space<hbm>>
    tpu.wait_indirect_dma semaphore(%arg11 : memref<!tpu.dma_semaphore, #tpu.memory_space<semaphore_mem>>) src(%dma_wait3A_231 : memref<100000x768xf32, #tpu.memory_space<hbm>>) dst(%arg10 : memref<32x768xf32, #tpu.memory_space<vmem>>)
    %add3A_232 = arith.constant 288 : i32
    %add3A_233 = arith.addi %mul3A_2, %add3A_232 : i32
    %dma_start3A_234 = arith.constant 0 : i32
    %dma_start3A_235 = tpu.memref_slice %arg4[%add3A_233, %dma_start3A_234] : memref<16384x768xf32, #tpu.memory_space<hbm>> -> memref<32x768xf32, #tpu.memory_space<hbm>>
    %dma_start3A_236 = arith.constant 0 : i32
    %dma_start3A_237 = tpu.memref_slice %arg4[%add3A_233, %dma_start3A_236] : memref<16384x768xf32, #tpu.memory_space<hbm>> -> memref<32x768xf32, #tpu.memory_space<hbm>>
    tpu.enqueue_dma source(%arg10 : memref<32x768xf32, #tpu.memory_space<vmem>>) target(%dma_start3A_237 : memref<32x768xf32, #tpu.memory_space<hbm>>) target_semaphore(%arg12 : memref<!tpu.dma_semaphore, #tpu.memory_space<semaphore_mem>>)
    %dma_wait3A_238 = arith.constant 0 : i32
    %dma_wait3A_239 = tpu.memref_slice %arg4[%add3A_213, %dma_wait3A_238] : memref<16384x768xf32, #tpu.memory_space<hbm>> -> memref<32x768xf32, #tpu.memory_space<hbm>>
    %dma_wait3A_240 = arith.constant 0 : i32
    %dma_wait3A_241 = tpu.memref_slice %arg4[%add3A_213, %dma_wait3A_240] : memref<16384x768xf32, #tpu.memory_space<hbm>> -> memref<32x768xf32, #tpu.memory_space<hbm>>
    tpu.wait_dma2 semaphore(%arg12 : memref<!tpu.dma_semaphore, #tpu.memory_space<semaphore_mem>>) src(%arg9 : memref<32x768xf32, #tpu.memory_space<vmem>>) dst(%dma_wait3A_241 : memref<32x768xf32, #tpu.memory_space<hbm>>)
    %dma_start3A_242 = arith.constant 416 : i32
    %dma_start3A_243 = tpu.memref_slice %arg5[%dma_start3A_242] : memref<512xi32, #tpu.memory_space<vmem>> -> memref<32xi32, #tpu.memory_space<vmem>>
    %dma_start3A_244 = arith.constant 0 : i32
    %dma_start3A_245 = arith.constant 0 : i32
    %dma_start3A_246 = tpu.memref_slice %arg3[%dma_start3A_244, %dma_start3A_245] : memref<100000x768xf32, #tpu.memory_space<hbm>> -> memref<100000x768xf32, #tpu.memory_space<hbm>>
    tpu.enqueue_indirect_dma source(%dma_start3A_246 : memref<100000x768xf32, #tpu.memory_space<hbm>>) target(%arg9 : memref<32x768xf32, #tpu.memory_space<vmem>>) offsets(%dma_start3A_243 : memref<32xi32, #tpu.memory_space<vmem>>) semaphore(%arg11 : memref<!tpu.dma_semaphore, #tpu.memory_space<semaphore_mem>>)
    %dma_wait3A_247 = arith.constant 320 : i32
    %dma_wait3A_248 = tpu.memref_slice %arg5[%dma_wait3A_247] : memref<512xi32, #tpu.memory_space<vmem>> -> memref<32xi32, #tpu.memory_space<vmem>>
    %dma_wait3A_249 = arith.constant 0 : i32
    %dma_wait3A_250 = arith.constant 0 : i32
    %dma_wait3A_251 = tpu.memref_slice %arg3[%dma_wait3A_249, %dma_wait3A_250] : memref<100000x768xf32, #tpu.memory_space<hbm>> -> memref<100000x768xf32, #tpu.memory_space<hbm>>
    tpu.wait_indirect_dma semaphore(%arg11 : memref<!tpu.dma_semaphore, #tpu.memory_space<semaphore_mem>>) src(%dma_wait3A_251 : memref<100000x768xf32, #tpu.memory_space<hbm>>) dst(%arg6 : memref<32x768xf32, #tpu.memory_space<vmem>>)
    %add3A_252 = arith.constant 320 : i32
    %add3A_253 = arith.addi %mul3A_2, %add3A_252 : i32
    %dma_start3A_254 = arith.constant 0 : i32
    %dma_start3A_255 = tpu.memref_slice %arg4[%add3A_253, %dma_start3A_254] : memref<16384x768xf32, #tpu.memory_space<hbm>> -> memref<32x768xf32, #tpu.memory_space<hbm>>
    %dma_start3A_256 = arith.constant 0 : i32
    %dma_start3A_257 = tpu.memref_slice %arg4[%add3A_253, %dma_start3A_256] : memref<16384x768xf32, #tpu.memory_space<hbm>> -> memref<32x768xf32, #tpu.memory_space<hbm>>
    tpu.enqueue_dma source(%arg6 : memref<32x768xf32, #tpu.memory_space<vmem>>) target(%dma_start3A_257 : memref<32x768xf32, #tpu.memory_space<hbm>>) target_semaphore(%arg12 : memref<!tpu.dma_semaphore, #tpu.memory_space<semaphore_mem>>)
    %dma_wait3A_258 = arith.constant 0 : i32
    %dma_wait3A_259 = tpu.memref_slice %arg4[%add3A_233, %dma_wait3A_258] : memref<16384x768xf32, #tpu.memory_space<hbm>> -> memref<32x768xf32, #tpu.memory_space<hbm>>
    %dma_wait3A_260 = arith.constant 0 : i32
    %dma_wait3A_261 = tpu.memref_slice %arg4[%add3A_233, %dma_wait3A_260] : memref<16384x768xf32, #tpu.memory_space<hbm>> -> memref<32x768xf32, #tpu.memory_space<hbm>>
    tpu.wait_dma2 semaphore(%arg12 : memref<!tpu.dma_semaphore, #tpu.memory_space<semaphore_mem>>) src(%arg10 : memref<32x768xf32, #tpu.memory_space<vmem>>) dst(%dma_wait3A_261 : memref<32x768xf32, #tpu.memory_space<hbm>>)
    %dma_start3A_262 = arith.constant 448 : i32
    %dma_start3A_263 = tpu.memref_slice %arg5[%dma_start3A_262] : memref<512xi32, #tpu.memory_space<vmem>> -> memref<32xi32, #tpu.memory_space<vmem>>
    %dma_start3A_264 = arith.constant 0 : i32
    %dma_start3A_265 = arith.constant 0 : i32
    %dma_start3A_266 = tpu.memref_slice %arg3[%dma_start3A_264, %dma_start3A_265] : memref<100000x768xf32, #tpu.memory_space<hbm>> -> memref<100000x768xf32, #tpu.memory_space<hbm>>
    tpu.enqueue_indirect_dma source(%dma_start3A_266 : memref<100000x768xf32, #tpu.memory_space<hbm>>) target(%arg10 : memref<32x768xf32, #tpu.memory_space<vmem>>) offsets(%dma_start3A_263 : memref<32xi32, #tpu.memory_space<vmem>>) semaphore(%arg11 : memref<!tpu.dma_semaphore, #tpu.memory_space<semaphore_mem>>)
    %dma_wait3A_267 = arith.constant 352 : i32
    %dma_wait3A_268 = tpu.memref_slice %arg5[%dma_wait3A_267] : memref<512xi32, #tpu.memory_space<vmem>> -> memref<32xi32, #tpu.memory_space<vmem>>
    %dma_wait3A_269 = arith.constant 0 : i32
    %dma_wait3A_270 = arith.constant 0 : i32
    %dma_wait3A_271 = tpu.memref_slice %arg3[%dma_wait3A_269, %dma_wait3A_270] : memref<100000x768xf32, #tpu.memory_space<hbm>> -> memref<100000x768xf32, #tpu.memory_space<hbm>>
    tpu.wait_indirect_dma semaphore(%arg11 : memref<!tpu.dma_semaphore, #tpu.memory_space<semaphore_mem>>) src(%dma_wait3A_271 : memref<100000x768xf32, #tpu.memory_space<hbm>>) dst(%arg7 : memref<32x768xf32, #tpu.memory_space<vmem>>)
    %add3A_272 = arith.constant 352 : i32
    %add3A_273 = arith.addi %mul3A_2, %add3A_272 : i32
    %dma_start3A_274 = arith.constant 0 : i32
    %dma_start3A_275 = tpu.memref_slice %arg4[%add3A_273, %dma_start3A_274] : memref<16384x768xf32, #tpu.memory_space<hbm>> -> memref<32x768xf32, #tpu.memory_space<hbm>>
    %dma_start3A_276 = arith.constant 0 : i32
    %dma_start3A_277 = tpu.memref_slice %arg4[%add3A_273, %dma_start3A_276] : memref<16384x768xf32, #tpu.memory_space<hbm>> -> memref<32x768xf32, #tpu.memory_space<hbm>>
    tpu.enqueue_dma source(%arg7 : memref<32x768xf32, #tpu.memory_space<vmem>>) target(%dma_start3A_277 : memref<32x768xf32, #tpu.memory_space<hbm>>) target_semaphore(%arg12 : memref<!tpu.dma_semaphore, #tpu.memory_space<semaphore_mem>>)
    %dma_wait3A_278 = arith.constant 0 : i32
    %dma_wait3A_279 = tpu.memref_slice %arg4[%add3A_253, %dma_wait3A_278] : memref<16384x768xf32, #tpu.memory_space<hbm>> -> memref<32x768xf32, #tpu.memory_space<hbm>>
    %dma_wait3A_280 = arith.constant 0 : i32
    %dma_wait3A_281 = tpu.memref_slice %arg4[%add3A_253, %dma_wait3A_280] : memref<16384x768xf32, #tpu.memory_space<hbm>> -> memref<32x768xf32, #tpu.memory_space<hbm>>
    tpu.wait_dma2 semaphore(%arg12 : memref<!tpu.dma_semaphore, #tpu.memory_space<semaphore_mem>>) src(%arg6 : memref<32x768xf32, #tpu.memory_space<vmem>>) dst(%dma_wait3A_281 : memref<32x768xf32, #tpu.memory_space<hbm>>)
    %dma_start3A_282 = arith.constant 480 : i32
    %dma_start3A_283 = tpu.memref_slice %arg5[%dma_start3A_282] : memref<512xi32, #tpu.memory_space<vmem>> -> memref<32xi32, #tpu.memory_space<vmem>>
    %dma_start3A_284 = arith.constant 0 : i32
    %dma_start3A_285 = arith.constant 0 : i32
    %dma_start3A_286 = tpu.memref_slice %arg3[%dma_start3A_284, %dma_start3A_285] : memref<100000x768xf32, #tpu.memory_space<hbm>> -> memref<100000x768xf32, #tpu.memory_space<hbm>>
    tpu.enqueue_indirect_dma source(%dma_start3A_286 : memref<100000x768xf32, #tpu.memory_space<hbm>>) target(%arg6 : memref<32x768xf32, #tpu.memory_space<vmem>>) offsets(%dma_start3A_283 : memref<32xi32, #tpu.memory_space<vmem>>) semaphore(%arg11 : memref<!tpu.dma_semaphore, #tpu.memory_space<semaphore_mem>>)
    %dma_wait3A_287 = arith.constant 384 : i32
    %dma_wait3A_288 = tpu.memref_slice %arg5[%dma_wait3A_287] : memref<512xi32, #tpu.memory_space<vmem>> -> memref<32xi32, #tpu.memory_space<vmem>>
    %dma_wait3A_289 = arith.constant 0 : i32
    %dma_wait3A_290 = arith.constant 0 : i32
    %dma_wait3A_291 = tpu.memref_slice %arg3[%dma_wait3A_289, %dma_wait3A_290] : memref<100000x768xf32, #tpu.memory_space<hbm>> -> memref<100000x768xf32, #tpu.memory_space<hbm>>
    tpu.wait_indirect_dma semaphore(%arg11 : memref<!tpu.dma_semaphore, #tpu.memory_space<semaphore_mem>>) src(%dma_wait3A_291 : memref<100000x768xf32, #tpu.memory_space<hbm>>) dst(%arg8 : memref<32x768xf32, #tpu.memory_space<vmem>>)
    %add3A_292 = arith.constant 384 : i32
    %add3A_293 = arith.addi %mul3A_2, %add3A_292 : i32
    %dma_start3A_294 = arith.constant 0 : i32
    %dma_start3A_295 = tpu.memref_slice %arg4[%add3A_293, %dma_start3A_294] : memref<16384x768xf32, #tpu.memory_space<hbm>> -> memref<32x768xf32, #tpu.memory_space<hbm>>
    %dma_start3A_296 = arith.constant 0 : i32
    %dma_start3A_297 = tpu.memref_slice %arg4[%add3A_293, %dma_start3A_296] : memref<16384x768xf32, #tpu.memory_space<hbm>> -> memref<32x768xf32, #tpu.memory_space<hbm>>
    tpu.enqueue_dma source(%arg8 : memref<32x768xf32, #tpu.memory_space<vmem>>) target(%dma_start3A_297 : memref<32x768xf32, #tpu.memory_space<hbm>>) target_semaphore(%arg12 : memref<!tpu.dma_semaphore, #tpu.memory_space<semaphore_mem>>)
    %dma_wait3A_298 = arith.constant 416 : i32
    %dma_wait3A_299 = tpu.memref_slice %arg5[%dma_wait3A_298] : memref<512xi32, #tpu.memory_space<vmem>> -> memref<32xi32, #tpu.memory_space<vmem>>
    %dma_wait3A_300 = arith.constant 0 : i32
    %dma_wait3A_301 = arith.constant 0 : i32
    %dma_wait3A_302 = tpu.memref_slice %arg3[%dma_wait3A_300, %dma_wait3A_301] : memref<100000x768xf32, #tpu.memory_space<hbm>> -> memref<100000x768xf32, #tpu.memory_space<hbm>>
    tpu.wait_indirect_dma semaphore(%arg11 : memref<!tpu.dma_semaphore, #tpu.memory_space<semaphore_mem>>) src(%dma_wait3A_302 : memref<100000x768xf32, #tpu.memory_space<hbm>>) dst(%arg9 : memref<32x768xf32, #tpu.memory_space<vmem>>)
    %add3A_303 = arith.constant 416 : i32
    %add3A_304 = arith.addi %mul3A_2, %add3A_303 : i32
    %dma_start3A_305 = arith.constant 0 : i32
    %dma_start3A_306 = tpu.memref_slice %arg4[%add3A_304, %dma_start3A_305] : memref<16384x768xf32, #tpu.memory_space<hbm>> -> memref<32x768xf32, #tpu.memory_space<hbm>>
    %dma_start3A_307 = arith.constant 0 : i32
    %dma_start3A_308 = tpu.memref_slice %arg4[%add3A_304, %dma_start3A_307] : memref<16384x768xf32, #tpu.memory_space<hbm>> -> memref<32x768xf32, #tpu.memory_space<hbm>>
    tpu.enqueue_dma source(%arg9 : memref<32x768xf32, #tpu.memory_space<vmem>>) target(%dma_start3A_308 : memref<32x768xf32, #tpu.memory_space<hbm>>) target_semaphore(%arg12 : memref<!tpu.dma_semaphore, #tpu.memory_space<semaphore_mem>>)
    %dma_wait3A_309 = arith.constant 448 : i32
    %dma_wait3A_310 = tpu.memref_slice %arg5[%dma_wait3A_309] : memref<512xi32, #tpu.memory_space<vmem>> -> memref<32xi32, #tpu.memory_space<vmem>>
    %dma_wait3A_311 = arith.constant 0 : i32
    %dma_wait3A_312 = arith.constant 0 : i32
    %dma_wait3A_313 = tpu.memref_slice %arg3[%dma_wait3A_311, %dma_wait3A_312] : memref<100000x768xf32, #tpu.memory_space<hbm>> -> memref<100000x768xf32, #tpu.memory_space<hbm>>
    tpu.wait_indirect_dma semaphore(%arg11 : memref<!tpu.dma_semaphore, #tpu.memory_space<semaphore_mem>>) src(%dma_wait3A_313 : memref<100000x768xf32, #tpu.memory_space<hbm>>) dst(%arg10 : memref<32x768xf32, #tpu.memory_space<vmem>>)
    %add3A_314 = arith.constant 448 : i32
    %add3A_315 = arith.addi %mul3A_2, %add3A_314 : i32
    %dma_start3A_316 = arith.constant 0 : i32
    %dma_start3A_317 = tpu.memref_slice %arg4[%add3A_315, %dma_start3A_316] : memref<16384x768xf32, #tpu.memory_space<hbm>> -> memref<32x768xf32, #tpu.memory_space<hbm>>
    %dma_start3A_318 = arith.constant 0 : i32
    %dma_start3A_319 = tpu.memref_slice %arg4[%add3A_315, %dma_start3A_318] : memref<16384x768xf32, #tpu.memory_space<hbm>> -> memref<32x768xf32, #tpu.memory_space<hbm>>
    tpu.enqueue_dma source(%arg10 : memref<32x768xf32, #tpu.memory_space<vmem>>) target(%dma_start3A_319 : memref<32x768xf32, #tpu.memory_space<hbm>>) target_semaphore(%arg12 : memref<!tpu.dma_semaphore, #tpu.memory_space<semaphore_mem>>)
    %dma_wait3A_320 = arith.constant 480 : i32
    %dma_wait3A_321 = tpu.memref_slice %arg5[%dma_wait3A_320] : memref<512xi32, #tpu.memory_space<vmem>> -> memref<32xi32, #tpu.memory_space<vmem>>
    %dma_wait3A_322 = arith.constant 0 : i32
    %dma_wait3A_323 = arith.constant 0 : i32
    %dma_wait3A_324 = tpu.memref_slice %arg3[%dma_wait3A_322, %dma_wait3A_323] : memref<100000x768xf32, #tpu.memory_space<hbm>> -> memref<100000x768xf32, #tpu.memory_space<hbm>>
    tpu.wait_indirect_dma semaphore(%arg11 : memref<!tpu.dma_semaphore, #tpu.memory_space<semaphore_mem>>) src(%dma_wait3A_324 : memref<100000x768xf32, #tpu.memory_space<hbm>>) dst(%arg6 : memref<32x768xf32, #tpu.memory_space<vmem>>)
    %add3A_325 = arith.constant 480 : i32
    %add3A_326 = arith.addi %mul3A_2, %add3A_325 : i32
    %dma_start3A_327 = arith.constant 0 : i32
    %dma_start3A_328 = tpu.memref_slice %arg4[%add3A_326, %dma_start3A_327] : memref<16384x768xf32, #tpu.memory_space<hbm>> -> memref<32x768xf32, #tpu.memory_space<hbm>>
    %dma_start3A_329 = arith.constant 0 : i32
    %dma_start3A_330 = tpu.memref_slice %arg4[%add3A_326, %dma_start3A_329] : memref<16384x768xf32, #tpu.memory_space<hbm>> -> memref<32x768xf32, #tpu.memory_space<hbm>>
    tpu.enqueue_dma source(%arg6 : memref<32x768xf32, #tpu.memory_space<vmem>>) target(%dma_start3A_330 : memref<32x768xf32, #tpu.memory_space<hbm>>) target_semaphore(%arg12 : memref<!tpu.dma_semaphore, #tpu.memory_space<semaphore_mem>>)
    %dma_wait3A_331 = arith.constant 0 : i32
    %dma_wait3A_332 = tpu.memref_slice %arg4[%add3A_273, %dma_wait3A_331] : memref<16384x768xf32, #tpu.memory_space<hbm>> -> memref<32x768xf32, #tpu.memory_space<hbm>>
    %dma_wait3A_333 = arith.constant 0 : i32
    %dma_wait3A_334 = tpu.memref_slice %arg4[%add3A_273, %dma_wait3A_333] : memref<16384x768xf32, #tpu.memory_space<hbm>> -> memref<32x768xf32, #tpu.memory_space<hbm>>
    tpu.wait_dma2 semaphore(%arg12 : memref<!tpu.dma_semaphore, #tpu.memory_space<semaphore_mem>>) src(%arg7 : memref<32x768xf32, #tpu.memory_space<vmem>>) dst(%dma_wait3A_334 : memref<32x768xf32, #tpu.memory_space<hbm>>)
    %dma_wait3A_335 = arith.constant 0 : i32
    %dma_wait3A_336 = tpu.memref_slice %arg4[%add3A_293, %dma_wait3A_335] : memref<16384x768xf32, #tpu.memory_space<hbm>> -> memref<32x768xf32, #tpu.memory_space<hbm>>
    %dma_wait3A_337 = arith.constant 0 : i32
    %dma_wait3A_338 = tpu.memref_slice %arg4[%add3A_293, %dma_wait3A_337] : memref<16384x768xf32, #tpu.memory_space<hbm>> -> memref<32x768xf32, #tpu.memory_space<hbm>>
    tpu.wait_dma2 semaphore(%arg12 : memref<!tpu.dma_semaphore, #tpu.memory_space<semaphore_mem>>) src(%arg8 : memref<32x768xf32, #tpu.memory_space<vmem>>) dst(%dma_wait3A_338 : memref<32x768xf32, #tpu.memory_space<hbm>>)
    %dma_wait3A_339 = arith.constant 0 : i32
    %dma_wait3A_340 = tpu.memref_slice %arg4[%add3A_304, %dma_wait3A_339] : memref<16384x768xf32, #tpu.memory_space<hbm>> -> memref<32x768xf32, #tpu.memory_space<hbm>>
    %dma_wait3A_341 = arith.constant 0 : i32
    %dma_wait3A_342 = tpu.memref_slice %arg4[%add3A_304, %dma_wait3A_341] : memref<16384x768xf32, #tpu.memory_space<hbm>> -> memref<32x768xf32, #tpu.memory_space<hbm>>
    tpu.wait_dma2 semaphore(%arg12 : memref<!tpu.dma_semaphore, #tpu.memory_space<semaphore_mem>>) src(%arg9 : memref<32x768xf32, #tpu.memory_space<vmem>>) dst(%dma_wait3A_342 : memref<32x768xf32, #tpu.memory_space<hbm>>)
    %dma_wait3A_343 = arith.constant 0 : i32
    %dma_wait3A_344 = tpu.memref_slice %arg4[%add3A_315, %dma_wait3A_343] : memref<16384x768xf32, #tpu.memory_space<hbm>> -> memref<32x768xf32, #tpu.memory_space<hbm>>
    %dma_wait3A_345 = arith.constant 0 : i32
    %dma_wait3A_346 = tpu.memref_slice %arg4[%add3A_315, %dma_wait3A_345] : memref<16384x768xf32, #tpu.memory_space<hbm>> -> memref<32x768xf32, #tpu.memory_space<hbm>>
    tpu.wait_dma2 semaphore(%arg12 : memref<!tpu.dma_semaphore, #tpu.memory_space<semaphore_mem>>) src(%arg10 : memref<32x768xf32, #tpu.memory_space<vmem>>) dst(%dma_wait3A_346 : memref<32x768xf32, #tpu.memory_space<hbm>>)
    %dma_wait3A_347 = arith.constant 0 : i32
    %dma_wait3A_348 = tpu.memref_slice %arg4[%add3A_326, %dma_wait3A_347] : memref<16384x768xf32, #tpu.memory_space<hbm>> -> memref<32x768xf32, #tpu.memory_space<hbm>>
    %dma_wait3A_349 = arith.constant 0 : i32
    %dma_wait3A_350 = tpu.memref_slice %arg4[%add3A_326, %dma_wait3A_349] : memref<16384x768xf32, #tpu.memory_space<hbm>> -> memref<32x768xf32, #tpu.memory_space<hbm>>
    tpu.wait_dma2 semaphore(%arg12 : memref<!tpu.dma_semaphore, #tpu.memory_space<semaphore_mem>>) src(%arg6 : memref<32x768xf32, #tpu.memory_space<vmem>>) dst(%dma_wait3A_350 : memref<32x768xf32, #tpu.memory_space<hbm>>)
    return
  }
}

</mosaic_0001>

<sc_bundles>
// kernel: kernel.3.cloned.1.call-start
scs
__scs_entry_jumppad:
0x0: {  	(pc) =	sbr.rel $0x88, $3  }
0x1: {  	(tag) =	ssettag $0x0;
	lr =	simm.s32 $0x1  }
0x2: {  	[smem:$0x3F9F] =	sst lr;
	_ =	strace $0xD0000000  }
0x3: {  	_ = 	snop  }
0x4: {  	_ = 	snop  }
0x5: {  	_ = 	snop  }
0x6: {  	_ = 	snop  }
0x7: {  	_ = 	snop  }
__scs_overlays_trampoline_lowered:
0x8: {  	[smem:$0x3FAE] =	sst s0  }
0x9: {  	[smem:$0x3FAF] =	sst s1  }
0xa: {  	[smem:$0x3FB0] =	sst s2  }
0xb: {  	[smem:$0x3FB1] =	sst s3  }
0xc: {  	[smem:$0x3FB2] =	sst s4  }
0xd: {  	[smem:$0x3FB3] =	sst s5  }
0xe: {  	[smem:$0x3FB4] =	sst s6  }
0xf: {  	[smem:$0x3FB5] =	sst s7  }
0x10: {  	[smem:$0x3FB6] =	sst s8  }
0x11: {  	[smem:$0x3FB7] =	sst s9;
	s0 =	simm.s32 @!p0 $0x0  }
0x12: {  	s1 =	sld [smem:$0x3F9D];
	s0 =	simm.s32 @p0 $0x1  }
0x13: {  	[smem:$0x3FB8] =	sst s0;
	s0 =	simm.s32 @!p1 $0x0  }
0x14: {  	s2 =	sld [smem:$0x3F9C];
	s0 =	simm.s32 @p1 $0x1  }
0x15: {  	[smem:$0x3FB9] =	sst s0;
	s0 =	simm.s32 @!p2 $0x0  }
0x16: {  	s3 =	sld [smem:$0x3FDB];
	s0 =	simm.s32 @p2 $0x1  }
0x17: {  	s4 =	simm.s32 $0x1BF5;
	[smem:$0x3FBB] =	sst s0  }
0x18: {  	s0 =	sld [smem:$0x3F9E];
	_ =	swait.ge [sflag:s4], $0x0  }
0x19: {  	s7 =	sld [smem:$0x3F9F]  }
0x1a: {  	s8 =	sadd.s32 $0xFFFFE003, lr  }
0x1b: {  	s9 =	sadd.s32 $0xFFFFFEF7, lr;
	s5 =	simm.s32 $0xFFFFFFFF;
	p2 =	slt.u32 s8, $0xFFFFF086  }
0x1c: {  	p1 =	slt.u32 s9, $0xF7A;
	s5 =	simm.s32 @!p2 $0x0  }
0x1d: {  	s5 =	simm.s32 @p1 $0x1;
	p0 =	seq.s32 s7, s2  }
0x1e: {  	s7 =	smul.u32 @!p0 $0xF7A, s2;
	p2 =	seq.s32 @!p0 s5, $0x0  }
0x1f: {  	s9 =	smul.u32 $0xF7A, s1;
	s8 =	simm.s32 @!p0 $0x1BF5;
	p2 =	por !p2, p0  }
0x20: {  	[sflag:s8] =	ssyncset.s32 @!p0 $0xFFFFF086;
	s6 =	sadd.s32 @!p0 s3, s7;
	s7 =	simm.s32 @!p0 $0x108  }
0x21: {  	s3 =	sadd.s32 s3, s9;
	s6 =	sadd.s32 @!p0 $0x88, s6;
	s7 =	simm.s32 @p2 $0x1082  }
0x22: {  	[simem:s7], [sflag:s8] =	dma.local @!p0 [hbm:s6], $0xF7A  }
0x23: {  	s9 =	sor.u32 $0xD0000000, s2;
	s6 =	simm.s32 $0x108;
	_ =	swait.ge @!p0 [sflag:s8], $0x0  }
0x24: {  	s3 =	sadd.s32 $0x88, s3;
	s6 =	simm.s32 @!p1 $0x1082;
	[sflag:s4] =	ssyncset.s32 $0xFFFFF086  }
0x25: {  	[simem:s6], [sflag:s4] =	dma.local [hbm:s3], $0xF7A  }
0x26: {  	[smem:$0x3F9F] =	sst s1;
	(tag) =	ssettag s2;
	_ =	strace s9  }
0x27: {  	s1 =	sld [smem:$0x3FAF]  }
0x28: {  	s2 =	sld [smem:$0x3FB0]  }
0x29: {  	s4 =	sld [smem:$0x3FB2]  }
0x2a: {  	p0 =	seq.s32 s5, $0x0;
	s5 =	sld [smem:$0x3FB3]  }
0x2b: {  	s6 =	sld [smem:$0x3FB4]  }
0x2c: {  	s7 =	sld [smem:$0x3FB5]  }
0x2d: {  	s3 =	simm.s32 $0x108;
	s8 =	sld [smem:$0x3FB6]  }
0x2e: {  	s3 =	simm.s32 @!p0 $0x1082;
	s9 =	sld [smem:$0x3FB7]  }
0x2f: {  	lr =	sadd.s32 s0, s3;
	s0 =	sld [smem:$0x3FAE]  }
0x30: {  	s3 =	sld [smem:$0x3FB1]  }
0x31: {  	[smem:$0x3FBA] =	sst s10  }
0x32: {  	s10 =	sld [smem:$0x3FB8];
	_ =	sdelay $0x3  }
0x33: {  	p0 =	seq.s32 s10, $0x1;
	s10 =	sld [smem:$0x3FBA];
	_ =	sdelay $0x3  }
0x34: {  	[smem:$0x3FBA] =	sst s10  }
0x35: {  	s10 =	sld [smem:$0x3FB9];
	_ =	sdelay $0x3  }
0x36: {  	p1 =	seq.s32 s10, $0x1;
	s10 =	sld [smem:$0x3FBA];
	_ =	sdelay $0x3  }
0x37: {  	[smem:$0x3FBA] =	sst s10  }
0x38: {  	s10 =	sld [smem:$0x3FBB]  }
0x39: {  	_ = 	snop;
	(pc) =	sbr.ind lr, $3  }
0x3a: {  	_ = 	snop  }
0x3b: {  	_ = 	snop  }
0x3c: {  	p2 =	seq.s32 s10, $0x1;
	s10 =	sld [smem:$0x3FBA]  }
0x3d: {  	_ =	shalt  }
0x3e: {  	_ =	shalt  }
0x3f: {  	_ =	shalt  }
0x40: {  	_ =	shalt  }
0x41: {  	_ =	shalt  }
0x42: {  	_ =	shalt  }
0x43: {  	_ =	shalt  }
0x44: {  	_ =	shalt  }
0x45: {  	_ =	shalt  }
0x46: {  	_ =	shalt  }
0x47: {  	_ =	shalt  }
0x48: {  	_ =	shalt  }
0x49: {  	_ =	shalt  }
0x4a: {  	_ =	shalt  }
0x4b: {  	_ =	shalt  }
0x4c: {  	_ =	shalt  }
0x4d: {  	_ =	shalt  }
0x4e: {  	_ =	shalt  }
0x4f: {  	_ =	shalt  }
0x50: {  	_ =	shalt  }
0x51: {  	_ =	shalt  }
0x52: {  	_ =	shalt  }
0x53: {  	_ =	shalt  }
0x54: {  	_ =	shalt  }
0x55: {  	_ =	shalt  }
0x56: {  	_ =	shalt  }
0x57: {  	_ =	shalt  }
0x58: {  	_ =	shalt  }
0x59: {  	_ =	shalt  }
0x5a: {  	_ =	shalt  }
0x5b: {  	_ =	shalt  }
0x5c: {  	_ =	shalt  }
0x5d: {  	_ =	shalt  }
0x5e: {  	_ =	shalt  }
0x5f: {  	_ =	shalt  }
0x60: {  	_ =	shalt  }
0x61: {  	_ =	shalt  }
0x62: {  	_ =	shalt  }
0x63: {  	_ =	shalt  }
0x64: {  	_ =	shalt  }
0x65: {  	_ =	shalt  }
0x66: {  	_ =	shalt  }
0x67: {  	_ =	shalt  }
0x68: {  	_ =	shalt  }
0x69: {  	_ =	shalt  }
0x6a: {  	_ =	shalt  }
0x6b: {  	_ =	shalt  }
0x6c: {  	_ =	shalt  }
0x6d: {  	_ =	shalt  }
0x6e: {  	_ =	shalt  }
0x6f: {  	_ =	shalt  }
0x70: {  	_ =	shalt  }
0x71: {  	_ =	shalt  }
0x72: {  	_ =	shalt  }
0x73: {  	_ =	shalt  }
0x74: {  	_ =	shalt  }
0x75: {  	_ =	shalt  }
0x76: {  	_ =	shalt  }
0x77: {  	_ =	shalt  }
0x78: {  	_ =	shalt  }
0x79: {  	_ =	shalt  }
0x7a: {  	_ =	shalt  }
0x7b: {  	_ =	shalt  }
0x7c: {  	_ =	shalt  }
0x7d: {  	_ =	shalt  }
0x7e: {  	_ =	shalt  }
0x7f: {  	_ =	shalt  }
0x80: {  	_ =	shalt  }
0x81: {  	_ =	shalt  }
0x82: {  	_ =	shalt  }
0x83: {  	_ =	shalt  }
0x84: {  	_ =	shalt  }
0x85: {  	_ =	shalt  }
0x86: {  	_ =	shalt  }
0x87: {  	_ =	shalt  }
.Lfunc_end0:
.L_simem_size_0:
called_computation_lowered:
.L_overlay_start_0:
0x88: {  	s2 =	sld [smem:$0x3FD9]  }
0x89: {  	s3 =	sld [smem:$0x3FFE];
	_ =	sdelay $0x1  }
0x8a: {  	s1 =	srdreg.scid  }
0x8b: {  	s0 =	sand.u32 $0x1, s1  }
0x8c: {  	s18 =	sshll.u32 s0, $0xA;
	s2 =	sadd.s32 s3, s2  }
0x8d: {  	s2 =	sadd.s32 s2, s18  }
0x8e: {  	[smem:$0x3FC6] =	sst s2  }
0x8f: {  	_ = 	snop  }
0x90: {  	s2 =	sld [smem:$0x3FC9]  }
0x91: {  	s19 =	sld [smem:$0x3FC8]  }
0x92: {  	s4 =	sld [smem:$0x3FD0];
	(tm) =	ssettm $0x1  }
0x93: {  	s5 =	sld [smem:$0x3FFB];
	_ =	sdelay $0x3  }
0x94: {  	_ =	strace s5  }
0x95: {  	s5 =	sld [smem:$0x3FFC];
	_ =	sdelay $0x3  }
0x96: {  	_ =	strace s5  }
0x97: {  	s5 =	sld [smem:$0x3FFD];
	_ =	sdelay $0x3  }
0x98: {  	_ =	strace s5  }
0x99: {  	_ =	strace $0x8FFFFFFF  }
0x9a: {  	s20 =	sld [smem:$0x3FDB];
	_ =	sdelay $0x1  }
0x9b: {  	s6 =	simm.s32 $_scs_section_size  }
0x9c: {  	s7 =	simm.s32 $_size__tile_overlayer_lowered;
	s8 =	simm.s32 $_tile_overlayer_lowered  }
0x9d: {  	s23 =	simm.s32 $0x1BFF;
	s22 =	sshll.u32 s8, $0x1;
	s5 =	sadd.s32 s6, s20  }
0x9e: {  	s9 =	simm.s32 $0x0;
	s21 =	sshll.u32 s7, $0x1;
	s7 =	sadd.s32 s22, s5  }
0x9f: {  	[timem:s9], [sflag:s23] =	dma.local [hbm:s7], s21  }
0xa0: {  	_ =	swait.ge [sflag:s23], s21  }
0xa1: {  	s6 =	ssub.s32 $0x0, s21;
	[sflag:s23] =	ssyncset.done $0x0  }
0xa2: {  	[sflag:s23] =	ssyncadd.s32 s6;
	_ =	sdelay $0x1  }
0xa3: {  	s24 =	simm.s32 $0x1B8B  }
0xa4: {  	_ =	swait.ge [sflag:s24], $0x1  }
0xa5: {  	[sflag:s24] =	ssyncset.done $0x0  }
0xa6: {  	s25 =	simm.s32 $0x1B8E;
	[sflag:s24] =	ssyncadd.s32 $0xFFFFFFFF  }
0xa7: {  	s26 =	simm.s32 $execute0_lowered;
	[smem:$0x3FD2] =	sst s25  }
0xa8: {  	s6 =	sshll.u32 s26, $0x1;
	_ =	strace $0x80000046;
	[dreg:$0x1] =	wrdreg $0xFFFFFFFF  }
0xa9: {  	s28 =	simm.s32 $_size_execute0_lowered;
	s5 =	sadd.s32 s5, s6;
	[dreg:$0x0] =	wrdreg $0x0  }
0xaa: {  	s6 =	sshll.u32 s28, $0x1;
	[dreg:$0x2] =	wrdreg s5  }
0xab: {  	[dreg:$0x3] =	wrdreg s6  }
0xac: {  	[dreg:$0x4] =	wrdreg $0xC0  }
0xad: {  	_ =	task [dreg:s9], $0x5FFFF  }
0xae: {  	[dreg:$0x1] =	wrdreg $0xFFFFFFFF  }
0xaf: {  	[dreg:$0x0] =	wrdreg $0x60  }
0xb0: {  	[dreg:$0x2] =	wrdreg s2  }
0xb1: {  	[dreg:$0x3] =	wrdreg s19  }
0xb2: {  	[dreg:$0x4] =	wrdreg s4  }
0xb3: {  	[dreg:$0x5] =	wrdreg $0x9  }
0xb4: {  	_ =	task.clear_ibuf [dreg:s9], $0x6FFFF;
	_ =	strace $0x90000046  }
0xb5: {  	s29 =	simm.s32 $0x9;
	_ =	strace $0x80000048  }
0xb6: {  	_ =	swait.ge [sflag:s29], $0x1  }
0xb7: {  	[sflag:s29] =	ssyncadd.s32 $0xFFFFFFFF  }
0xb8: {  	_ =	strace $0x90000048  }
0xb9: {  	_ =	sfence  }
0xba: {  	s30 =	sld [smem:$0x0];
	_ =	sdelay $0x2  }
0xbb: {  	s31 =	sshll.u32 s1, $0xD;
	s1 =	sshrl.u32 s1, $0x2  }
0xbc: {  	s3 =	sand.u32 $0x4000, s31;
	s1 =	sadd.s32 s1, s30  }
0xbd: {  	s0 =	sor.u32 s3, s0;
	s1 =	sshll.u32 s1, $0x11  }
0xbe: {  	s0 =	sor.u32 s1, s0  }
0xbf: {  	s0 =	sadd.s32 $0x8F2B, s0  }
0xc0: {  	[sflag:s0] =	ssyncadd.remote.s32 $0x1  }
0xc1: {  	_ =	sfence.sel $0xFFFF  }
0xc2: {  	[dreg:$0x0] =	wrdreg $0xFFFFFFFF;
	(pc) =	sbr.abs _section_cstart, $3  }
0xc3: {  	[dreg:$0x1] =	wrdreg $0xFFFFFFFF  }
0xc4: {  	_ =	task.clear_ibuf [dreg:s9], $0x2FFFF;
	_ =	strace $0x9FFFFFFF  }
0xc5: {  	(tm) =	ssettm $0x7FFFFFFF  }
tec
execute0_lowered:
.L_overlay_start_1:
0x0: {  	(tag) =	ssettag $0x1  }
0x1: {  	s0 =	srdreg.scid  }
0x2: {  	s2 =	stileid.u32;
	s0 =	sand.u32 $0x1, s0  }
0x3: {  	s2 =	sshll.u32 s2, $0x9;
	s1 =	sshll.u32 s0, $0xD  }
0x4: {  	s3 =	sand.u32 $0xE00, s2;
	s1 =	sor.u32 s2, s1  }
0x5: {  	p1 =	sne.s32 s3, $0x0;
	p0 =	seq.s32 s1, $0x0  }
0x6: {  	p0 =	por !p0, !p1  }
0x7: {  	s5 =	simm.s32 $0x1;
	p0 =	por !p0, !p0  }
0x8: {  	s6 =	sshrl.u32 s1, $0xC;
	s5 =	simm.s32 @!p0 $0x0  }
0x9: {  	s4 =	rddreg [dreg:$0x0];
	s1 =	sshrl.u32 s1, $0x3;
	s5 =	ssub.s32 s6, s5  }
0xa: {  	s7 =	rddreg [dreg:$0x2];
	s12 =	smul.u32 $0x300, s1;
	s6 =	sshll.u32 s5, $0xC  }
0xb: {  	s2 =	rddreg [dreg:$0x1];
	s3 =	sshll.u32 s3, $0x2;
	s6 =	sand.u32 $0xFFFFC000, s6  }
0xc: {  	s13 =	sadd.s32 s7, s12;
	s6 =	sor.u32 s3, s6;
	s3 =	simm.s32 $0x0  }
0xd: {  	s14 =	sadd.s32 $0xC00, s13;
	[smem:$0x7FF] =	sst s3  }
0xe: {  	s15 =	sadd.s32 $0x1800, s13;
	_ =	strace $0x80000047;
	[dreg:$0x5] =	wrdreg s14  }
0xf: {  	s1 =	smul.u32 $0x1800, s1;
	s16 =	sadd.s32 $0x2400, s13;
	[dreg:$0x6] =	wrdreg s15  }
0x10: {  	s31 =	simm.s32 $0x80;
	s17 =	sadd.s32 $0x3000, s13;
	[dreg:$0x7] =	wrdreg s16  }
0x11: {  	s29 =	simm.s32 $0x2;
	s1 =	sshrl.u32 s1, $0x3;
	[dreg:$0x8] =	wrdreg s17  }
0x12: {  	s18 =	sadd.s32 $0x3C00, s13;
	s1 =	sadd.s32 s7, s1;
	[dreg:$0x15] =	wrdreg s13  }
0x13: {  	s10 =	simm.s32 $0x12200;
	s19 =	sadd.s32 $0x4800, s1;
	[dreg:$0x9] =	wrdreg s18  }
0x14: {  	s9 =	simm.s32 $0x18200;
	s20 =	sadd.s32 $0x5400, s1;
	[dreg:$0xa] =	wrdreg s19  }
0x15: {  	s0 =	ssub.s32 $0x2, s0;
	s21 =	sadd.s32 $0x6000, s1;
	[dreg:$0xb] =	wrdreg s20  }
0x16: {  	s24 =	sshrl.u32 s0, $0x1;
	s22 =	sadd.s32 $0x6C00, s1;
	[dreg:$0xc] =	wrdreg s21  }
0x17: {  	s0 =	ssub.s32 s0, s24;
	s23 =	sadd.s32 $0x7800, s1;
	[dreg:$0xd] =	wrdreg s22  }
0x18: {  	s8 =	smax.u32 s0, $0x1;
	s25 =	sadd.s32 $0x8400, s1;
	[dreg:$0xe] =	wrdreg s23  }
0x19: {  	s7 =	sadd.s32 $0x200, s2;
	s26 =	sadd.s32 $0x9000, s1;
	[dreg:$0xf] =	wrdreg s25  }
0x1a: {  	s5 =	sshll.u32 s5, $0x7;
	s28 =	sadd.s32 $0x9C00, s1;
	[dreg:$0x10] =	wrdreg s26  }
0x1b: {  	s30 =	sadd.s32 $0xA800, s1;
	s5 =	sand.u32 $0x180, s5;
	[dreg:$0x11] =	wrdreg s28  }
0x1c: {  	s1 =	sadd.s32 $0xB400, s1;
	s5 =	sor.u32 s5, s6;
	[dreg:$0x12] =	wrdreg s30  }
0x1d: {  	v2 =	vlaneseq.u32;
	s6 =	sadd.s32 $0x100, s2;
	s5 =	sshrl.u32 s5, $0x3;
	[dreg:$0x13] =	wrdreg s1  }
0x1e: {  	vm0 =	vmmov $0xffff;
	v1 =	vshrl.u32 v2, $0x3;
	[dreg:$0x14] =	wrdreg s31;
	s1 =	simm.s32 $0x200;
	s4 =	sadd.s32 s4, s5  }
0x1f: {  	v0 =	vand.u32 $0x7, v2;
	v2 =	vor.u32 $0x8, v2;
	v1 =	vmul.u32 $0x8, v1;
	s23 =	simm.s32 $0x6200;
	s5 =	simm.s32 $0x1;
	[dreg:$0x4] =	wrdreg s4  }
.LBB2_1:
0x20: {  	s30 =	rddreg [dreg:$0x4]  }
0x21: {  	s31 =	rddreg [dreg:$0x14];
	s26 =	simm.s32 $0x3  }
0x22: {  	[tilespmem:s3], [sflag:$0x3] =	stream.strided.gather [hbm4b:s30+s31], $0x200, s1, s31, $0x38;
	[tilespmem:$0x1E200] =	vst v63  }
0x23: {  	_ =	swait.ge [sflag:s26], $0x200  }
0x24: {  	[sflag:s26] =	ssyncset.done $0x0  }
0x25: {  	[sflag:s26] =	ssyncadd.s32 $0xFFFFFE00  }
0x26: {  	v3 =	vld [tilespmem:$0x0];
	_ =	sdelay $0x4  }
0x27: {  	v4 =	vshrl.u32 v3, $0x3  }
0x28: {  	v4 =	vmul.u32 $0x30, v4  }
0x29: {  	v3 =	vand.u32 $0x7, v3  }
0x2a: {  	v3 =	vor.u32 v3, v4  }
0x2b: {  	v4 =	vperm.xlane v3, v0;
	_ =	sdelay $0x1  }
0x2c: {  	v4 =	vadd.s32 v1, v4;
	_ =	sdelay $0x3  }
0x2d: {  	v3 =	vperm.xlane v3, v2  }
0x2e: {  	[tilespmem:s1], [sflag:$0x1] =	stream.indirect_vreg.gather [hbm4b:s2+s3], $0x80, v4, vm0, $0xb8;
	[tilespmem:$0x1E200] =	vst v63  }
0x2f: {  	s0 =	simm.s32 $0xA00;
	v3 =	vadd.s32 v1, v3  }
0x30: {  	[tilespmem:s0], [sflag:$0x1] =	stream.indirect_vreg.gather [hbm4b:s6+s3], $0x80, v4, vm0, $0xb8;
	[tilespmem:$0x1E200] =	vst v63  }
0x31: {  	s28 =	simm.s32 $0x1200  }
0x32: {  	[tilespmem:s28], [sflag:$0x1] =	stream.indirect_vreg.gather [hbm4b:s7+s3], $0x80, v4, vm0, $0xb8;
	[tilespmem:$0x1E200] =	vst v63  }
0x33: {  	s30 =	simm.s32 $0x1A00  }
0x34: {  	[tilespmem:s30], [sflag:$0x1] =	stream.indirect_vreg.gather [hbm4b:s2+s3], $0x80, v3, vm0, $0xb8;
	[tilespmem:$0x1E200] =	vst v63  }
0x35: {  	s31 =	simm.s32 $0x2200  }
0x36: {  	[tilespmem:s31], [sflag:$0x1] =	stream.indirect_vreg.gather [hbm4b:s6+s3], $0x80, v3, vm0, $0xb8;
	[tilespmem:$0x1E200] =	vst v63  }
0x37: {  	s4 =	simm.s32 $0x2A00  }
0x38: {  	[tilespmem:s4], [sflag:$0x1] =	stream.indirect_vreg.gather [hbm4b:s7+s3], $0x80, v3, vm0, $0xb8;
	[tilespmem:$0x1E200] =	vst v63  }
0x39: {  	v3 =	vld [tilespmem:$0x10];
	_ =	sdelay $0x4  }
0x3a: {  	v33 =	vshrl.u32 v3, $0x3  }
0x3b: {  	v4 =	vmul.u32 $0x30, v33  }
0x3c: {  	v3 =	vand.u32 $0x7, v3  }
0x3d: {  	v3 =	vor.u32 v3, v4  }
0x3e: {  	v4 =	vperm.xlane v3, v0;
	_ =	sdelay $0x1  }
0x3f: {  	v4 =	vadd.s32 v1, v4;
	_ =	sdelay $0x3  }
0x40: {  	s11 =	simm.s32 $0x3200;
	v3 =	vperm.xlane v3, v2  }
0x41: {  	[tilespmem:s11], [sflag:$0x1] =	stream.indirect_vreg.gather [hbm4b:s2+s3], $0x80, v4, vm0, $0xb8;
	[tilespmem:$0x1E200] =	vst v63  }
0x42: {  	s12 =	simm.s32 $0x3A00;
	v3 =	vadd.s32 v1, v3  }
0x43: {  	[tilespmem:s12], [sflag:$0x1] =	stream.indirect_vreg.gather [hbm4b:s6+s3], $0x80, v4, vm0, $0xb8;
	[tilespmem:$0x1E200] =	vst v63  }
0x44: {  	s13 =	simm.s32 $0x4200  }
0x45: {  	[tilespmem:s13], [sflag:$0x1] =	stream.indirect_vreg.gather [hbm4b:s7+s3], $0x80, v4, vm0, $0xb8;
	[tilespmem:$0x1E200] =	vst v63  }
0x46: {  	s14 =	simm.s32 $0x4A00  }
0x47: {  	[tilespmem:s14], [sflag:$0x1] =	stream.indirect_vreg.gather [hbm4b:s2+s3], $0x80, v3, vm0, $0xb8;
	[tilespmem:$0x1E200] =	vst v63  }
0x48: {  	s15 =	simm.s32 $0x5200  }
0x49: {  	[tilespmem:s15], [sflag:$0x1] =	stream.indirect_vreg.gather [hbm4b:s6+s3], $0x80, v3, vm0, $0xb8;
	[tilespmem:$0x1E200] =	vst v63  }
0x4a: {  	s16 =	simm.s32 $0x5A00  }
0x4b: {  	[tilespmem:s16], [sflag:$0x1] =	stream.indirect_vreg.gather [hbm4b:s7+s3], $0x80, v3, vm0, $0xb8;
	[tilespmem:$0x1E200] =	vst v63  }
0x4c: {  	v3 =	vld [tilespmem:$0x20];
	_ =	sdelay $0x4  }
0x4d: {  	v34 =	vshrl.u32 v3, $0x3  }
0x4e: {  	v4 =	vmul.u32 $0x30, v34  }
0x4f: {  	v3 =	vand.u32 $0x7, v3  }
0x50: {  	v3 =	vor.u32 v3, v4  }
0x51: {  	v4 =	vperm.xlane v3, v0;
	_ =	sdelay $0x1  }
0x52: {  	v4 =	vadd.s32 v1, v4;
	_ =	sdelay $0x3  }
0x53: {  	v3 =	vperm.xlane v3, v2  }
0x54: {  	[tilespmem:s23], [sflag:$0x1] =	stream.indirect_vreg.gather [hbm4b:s2+s3], $0x80, v4, vm0, $0xb8;
	[tilespmem:$0x1E200] =	vst v63  }
0x55: {  	s17 =	simm.s32 $0x6A00;
	v3 =	vadd.s32 v1, v3  }
0x56: {  	[tilespmem:s17], [sflag:$0x1] =	stream.indirect_vreg.gather [hbm4b:s6+s3], $0x80, v4, vm0, $0xb8;
	[tilespmem:$0x1E200] =	vst v63  }
0x57: {  	s18 =	simm.s32 $0x7200  }
0x58: {  	[tilespmem:s18], [sflag:$0x1] =	stream.indirect_vreg.gather [hbm4b:s7+s3], $0x80, v4, vm0, $0xb8;
	[tilespmem:$0x1E200] =	vst v63  }
0x59: {  	s19 =	simm.s32 $0x7A00  }
0x5a: {  	[tilespmem:s19], [sflag:$0x1] =	stream.indirect_vreg.gather [hbm4b:s2+s3], $0x80, v3, vm0, $0xb8;
	[tilespmem:$0x1E200] =	vst v63  }
0x5b: {  	s22 =	simm.s32 $0x8200  }
0x5c: {  	[tilespmem:s22], [sflag:$0x1] =	stream.indirect_vreg.gather [hbm4b:s6+s3], $0x80, v3, vm0, $0xb8;
	[tilespmem:$0x1E200] =	vst v63  }
0x5d: {  	s24 =	simm.s32 $0x8A00  }
0x5e: {  	[tilespmem:s24], [sflag:$0x1] =	stream.indirect_vreg.gather [hbm4b:s7+s3], $0x80, v3, vm0, $0xb8;
	[tilespmem:$0x1E200] =	vst v63  }
0x5f: {  	v3 =	vld [tilespmem:$0x30];
	_ =	sdelay $0x4  }
0x60: {  	v35 =	vshrl.u32 v3, $0x3  }
0x61: {  	v4 =	vmul.u32 $0x30, v35  }
0x62: {  	v3 =	vand.u32 $0x7, v3  }
0x63: {  	v3 =	vor.u32 v3, v4  }
0x64: {  	v4 =	vperm.xlane v3, v0;
	_ =	sdelay $0x1  }
0x65: {  	v4 =	vadd.s32 v1, v4;
	_ =	sdelay $0x3  }
0x66: {  	s25 =	simm.s32 $0x9200;
	v3 =	vperm.xlane v3, v2  }
0x67: {  	[tilespmem:s25], [sflag:$0x1] =	stream.indirect_vreg.gather [hbm4b:s2+s3], $0x80, v4, vm0, $0xb8;
	[tilespmem:$0x1E200] =	vst v63  }
0x68: {  	s26 =	simm.s32 $0x9A00;
	v3 =	vadd.s32 v1, v3  }
0x69: {  	[tilespmem:s26], [sflag:$0x1] =	stream.indirect_vreg.gather [hbm4b:s6+s3], $0x80, v4, vm0, $0xb8;
	[tilespmem:$0x1E200] =	vst v63  }
0x6a: {  	s28 =	simm.s32 $0xA200  }
0x6b: {  	[tilespmem:s28], [sflag:$0x1] =	stream.indirect_vreg.gather [hbm4b:s7+s3], $0x80, v4, vm0, $0xb8;
	[tilespmem:$0x1E200] =	vst v63  }
0x6c: {  	s30 =	simm.s32 $0xAA00  }
0x6d: {  	[tilespmem:s30], [sflag:$0x1] =	stream.indirect_vreg.gather [hbm4b:s2+s3], $0x80, v3, vm0, $0xb8;
	[tilespmem:$0x1E200] =	vst v63  }
0x6e: {  	s31 =	simm.s32 $0xB200  }
0x6f: {  	[tilespmem:s31], [sflag:$0x1] =	stream.indirect_vreg.gather [hbm4b:s6+s3], $0x80, v3, vm0, $0xb8;
	[tilespmem:$0x1E200] =	vst v63  }
0x70: {  	s13 =	simm.s32 $0xBA00  }
0x71: {  	[tilespmem:s13], [sflag:$0x1] =	stream.indirect_vreg.gather [hbm4b:s7+s3], $0x80, v3, vm0, $0xb8;
	[tilespmem:$0x1E200] =	vst v63  }
0x72: {  	v3 =	vld [tilespmem:$0x40];
	_ =	sdelay $0x4  }
0x73: {  	v36 =	vshrl.u32 v3, $0x3  }
0x74: {  	v4 =	vmul.u32 $0x30, v36  }
0x75: {  	v3 =	vand.u32 $0x7, v3  }
0x76: {  	v3 =	vor.u32 v3, v4  }
0x77: {  	v4 =	vperm.xlane v3, v0;
	_ =	sdelay $0x1  }
0x78: {  	v4 =	vadd.s32 v1, v4;
	_ =	sdelay $0x3  }
0x79: {  	s31 =	simm.s32 $0xC200;
	v3 =	vperm.xlane v3, v2  }
0x7a: {  	[tilespmem:s31], [sflag:$0x1] =	stream.indirect_vreg.gather [hbm4b:s2+s3], $0x80, v4, vm0, $0xb8;
	[tilespmem:$0x1E200] =	vst v63  }
0x7b: {  	s16 =	simm.s32 $0xCA00;
	v3 =	vadd.s32 v1, v3  }
0x7c: {  	[tilespmem:s16], [sflag:$0x1] =	stream.indirect_vreg.gather [hbm4b:s6+s3], $0x80, v4, vm0, $0xb8;
	[tilespmem:$0x1E200] =	vst v63  }
0x7d: {  	s17 =	simm.s32 $0xD200  }
0x7e: {  	[tilespmem:s17], [sflag:$0x1] =	stream.indirect_vreg.gather [hbm4b:s7+s3], $0x80, v4, vm0, $0xb8;
	[tilespmem:$0x1E200] =	vst v63  }
0x7f: {  	s18 =	simm.s32 $0xDA00  }
0x80: {  	[tilespmem:s18], [sflag:$0x1] =	stream.indirect_vreg.gather [hbm4b:s2+s3], $0x80, v3, vm0, $0xb8;
	[tilespmem:$0x1E200] =	vst v63  }
0x81: {  	s19 =	simm.s32 $0xE200  }
0x82: {  	[tilespmem:s19], [sflag:$0x1] =	stream.indirect_vreg.gather [hbm4b:s6+s3], $0x80, v3, vm0, $0xb8;
	[tilespmem:$0x1E200] =	vst v63  }
0x83: {  	s22 =	simm.s32 $0xEA00  }
0x84: {  	[tilespmem:s22], [sflag:$0x1] =	stream.indirect_vreg.gather [hbm4b:s7+s3], $0x80, v3, vm0, $0xb8;
	[tilespmem:$0x1E200] =	vst v63  }
0x85: {  	v3 =	vld [tilespmem:$0x50];
	_ =	sdelay $0x4  }
0x86: {  	v37 =	vshrl.u32 v3, $0x3  }
0x87: {  	v4 =	vmul.u32 $0x30, v37  }
0x88: {  	v3 =	vand.u32 $0x7, v3  }
0x89: {  	v3 =	vor.u32 v3, v4  }
0x8a: {  	v4 =	vperm.xlane v3, v0;
	_ =	sdelay $0x1  }
0x8b: {  	v4 =	vadd.s32 v1, v4;
	_ =	sdelay $0x3  }
0x8c: {  	s25 =	simm.s32 $0xF200;
	v3 =	vperm.xlane v3, v2  }
0x8d: {  	[tilespmem:s25], [sflag:$0x1] =	stream.indirect_vreg.gather [hbm4b:s2+s3], $0x80, v4, vm0, $0xb8;
	[tilespmem:$0x1E200] =	vst v63  }
0x8e: {  	s30 =	simm.s32 $0xFA00;
	v3 =	vadd.s32 v1, v3  }
0x8f: {  	[tilespmem:s30], [sflag:$0x1] =	stream.indirect_vreg.gather [hbm4b:s6+s3], $0x80, v4, vm0, $0xb8;
	[tilespmem:$0x1E200] =	vst v63  }
0x90: {  	s16 =	simm.s32 $0x10200  }
0x91: {  	[tilespmem:s16], [sflag:$0x1] =	stream.indirect_vreg.gather [hbm4b:s7+s3], $0x80, v4, vm0, $0xb8;
	[tilespmem:$0x1E200] =	vst v63  }
0x92: {  	s17 =	simm.s32 $0x10A00  }
0x93: {  	[tilespmem:s17], [sflag:$0x1] =	stream.indirect_vreg.gather [hbm4b:s2+s3], $0x80, v3, vm0, $0xb8;
	[tilespmem:$0x1E200] =	vst v63  }
0x94: {  	s18 =	simm.s32 $0x11200  }
0x95: {  	[tilespmem:s18], [sflag:$0x1] =	stream.indirect_vreg.gather [hbm4b:s6+s3], $0x80, v3, vm0, $0xb8;
	[tilespmem:$0x1E200] =	vst v63  }
0x96: {  	s19 =	simm.s32 $0x11A00  }
0x97: {  	[tilespmem:s19], [sflag:$0x1] =	stream.indirect_vreg.gather [hbm4b:s7+s3], $0x80, v3, vm0, $0xb8;
	[tilespmem:$0x1E200] =	vst v63  }
0x98: {  	v3 =	vld [tilespmem:$0x60];
	_ =	sdelay $0x4  }
0x99: {  	v38 =	vshrl.u32 v3, $0x3  }
0x9a: {  	v4 =	vmul.u32 $0x30, v38  }
0x9b: {  	v3 =	vand.u32 $0x7, v3  }
0x9c: {  	v3 =	vor.u32 v3, v4  }
0x9d: {  	v4 =	vperm.xlane v3, v0;
	_ =	sdelay $0x1  }
0x9e: {  	v4 =	vadd.s32 v1, v4;
	_ =	sdelay $0x3  }
0x9f: {  	v3 =	vperm.xlane v3, v2  }
0xa0: {  	[tilespmem:s10], [sflag:$0x1] =	stream.indirect_vreg.gather [hbm4b:s2+s3], $0x80, v4, vm0, $0xb8;
	[tilespmem:$0x1E200] =	vst v63  }
0xa1: {  	s22 =	simm.s32 $0x12A00;
	v3 =	vadd.s32 v1, v3  }
0xa2: {  	[tilespmem:s22], [sflag:$0x1] =	stream.indirect_vreg.gather [hbm4b:s6+s3], $0x80, v4, vm0, $0xb8;
	[tilespmem:$0x1E200] =	vst v63  }
0xa3: {  	s25 =	simm.s32 $0x13200  }
0xa4: {  	[tilespmem:s25], [sflag:$0x1] =	stream.indirect_vreg.gather [hbm4b:s7+s3], $0x80, v4, vm0, $0xb8;
	[tilespmem:$0x1E200] =	vst v63  }
0xa5: {  	s30 =	simm.s32 $0x13A00  }
0xa6: {  	[tilespmem:s30], [sflag:$0x1] =	stream.indirect_vreg.gather [hbm4b:s2+s3], $0x80, v3, vm0, $0xb8;
	[tilespmem:$0x1E200] =	vst v63  }
0xa7: {  	s16 =	simm.s32 $0x14200  }
0xa8: {  	[tilespmem:s16], [sflag:$0x1] =	stream.indirect_vreg.gather [hbm4b:s6+s3], $0x80, v3, vm0, $0xb8;
	[tilespmem:$0x1E200] =	vst v63  }
0xa9: {  	s17 =	simm.s32 $0x14A00  }
0xaa: {  	[tilespmem:s17], [sflag:$0x1] =	stream.indirect_vreg.gather [hbm4b:s7+s3], $0x80, v3, vm0, $0xb8;
	[tilespmem:$0x1E200] =	vst v63  }
0xab: {  	v3 =	vld [tilespmem:$0x70];
	_ =	sdelay $0x4  }
0xac: {  	v39 =	vshrl.u32 v3, $0x3  }
0xad: {  	v4 =	vmul.u32 $0x30, v39  }
0xae: {  	v3 =	vand.u32 $0x7, v3  }
0xaf: {  	v3 =	vor.u32 v3, v4  }
0xb0: {  	v4 =	vperm.xlane v3, v0;
	_ =	sdelay $0x1  }
0xb1: {  	v4 =	vadd.s32 v1, v4;
	_ =	sdelay $0x3  }
0xb2: {  	s18 =	simm.s32 $0x15200;
	v3 =	vperm.xlane v3, v2  }
0xb3: {  	[tilespmem:s18], [sflag:$0x1] =	stream.indirect_vreg.gather [hbm4b:s2+s3], $0x80, v4, vm0, $0xb8;
	[tilespmem:$0x1E200] =	vst v63  }
0xb4: {  	s19 =	simm.s32 $0x15A00;
	v3 =	vadd.s32 v1, v3  }
0xb5: {  	[tilespmem:s19], [sflag:$0x1] =	stream.indirect_vreg.gather [hbm4b:s6+s3], $0x80, v4, vm0, $0xb8;
	[tilespmem:$0x1E200] =	vst v63  }
0xb6: {  	s22 =	simm.s32 $0x16200  }
0xb7: {  	[tilespmem:s22], [sflag:$0x1] =	stream.indirect_vreg.gather [hbm4b:s7+s3], $0x80, v4, vm0, $0xb8;
	[tilespmem:$0x1E200] =	vst v63  }
0xb8: {  	s25 =	simm.s32 $0x16A00  }
0xb9: {  	[tilespmem:s25], [sflag:$0x1] =	stream.indirect_vreg.gather [hbm4b:s2+s3], $0x80, v3, vm0, $0xb8;
	[tilespmem:$0x1E200] =	vst v63  }
0xba: {  	s30 =	simm.s32 $0x17200  }
0xbb: {  	[tilespmem:s30], [sflag:$0x1] =	stream.indirect_vreg.gather [hbm4b:s6+s3], $0x80, v3, vm0, $0xb8;
	[tilespmem:$0x1E200] =	vst v63  }
0xbc: {  	s16 =	simm.s32 $0x17A00  }
0xbd: {  	[tilespmem:s16], [sflag:$0x1] =	stream.indirect_vreg.gather [hbm4b:s7+s3], $0x80, v3, vm0, $0xb8;
	[tilespmem:$0x1E200] =	vst v63  }
0xbe: {  	v3 =	vld [tilespmem:$0x80];
	_ =	sdelay $0x4  }
0xbf: {  	v40 =	vshrl.u32 v3, $0x3  }
0xc0: {  	v4 =	vmul.u32 $0x30, v40  }
0xc1: {  	v3 =	vand.u32 $0x7, v3  }
0xc2: {  	v3 =	vor.u32 v3, v4  }
0xc3: {  	v4 =	vperm.xlane v3, v0;
	_ =	sdelay $0x1  }
0xc4: {  	v4 =	vadd.s32 v1, v4;
	_ =	sdelay $0x3  }
0xc5: {  	v3 =	vperm.xlane v3, v2  }
0xc6: {  	[tilespmem:s9], [sflag:$0x1] =	stream.indirect_vreg.gather [hbm4b:s2+s3], $0x80, v4, vm0, $0xb8;
	[tilespmem:$0x1E200] =	vst v63  }
0xc7: {  	s16 =	simm.s32 $0x18A00;
	v3 =	vadd.s32 v1, v3  }
0xc8: {  	[tilespmem:s16], [sflag:$0x1] =	stream.indirect_vreg.gather [hbm4b:s6+s3], $0x80, v4, vm0, $0xb8;
	[tilespmem:$0x1E200] =	vst v63  }
0xc9: {  	s17 =	simm.s32 $0x19200  }
0xca: {  	[tilespmem:s17], [sflag:$0x1] =	stream.indirect_vreg.gather [hbm4b:s7+s3], $0x80, v4, vm0, $0xb8;
	[tilespmem:$0x1E200] =	vst v63  }
0xcb: {  	s18 =	simm.s32 $0x19A00  }
0xcc: {  	[tilespmem:s18], [sflag:$0x1] =	stream.indirect_vreg.gather [hbm4b:s2+s3], $0x80, v3, vm0, $0xb8;
	[tilespmem:$0x1E200] =	vst v63  }
0xcd: {  	s19 =	simm.s32 $0x1A200  }
0xce: {  	[tilespmem:s19], [sflag:$0x1] =	stream.indirect_vreg.gather [hbm4b:s6+s3], $0x80, v3, vm0, $0xb8;
	[tilespmem:$0x1E200] =	vst v63  }
0xcf: {  	s22 =	simm.s32 $0x1AA00  }
0xd0: {  	[tilespmem:s22], [sflag:$0x1] =	stream.indirect_vreg.gather [hbm4b:s7+s3], $0x80, v3, vm0, $0xb8;
	[tilespmem:$0x1E200] =	vst v63  }
0xd1: {  	v3 =	vld [tilespmem:$0x90];
	_ =	sdelay $0x4  }
0xd2: {  	v41 =	vshrl.u32 v3, $0x3  }
0xd3: {  	v4 =	vmul.u32 $0x30, v41  }
0xd4: {  	v3 =	vand.u32 $0x7, v3  }
0xd5: {  	v3 =	vor.u32 v3, v4  }
0xd6: {  	v4 =	vperm.xlane v3, v0;
	_ =	sdelay $0x1  }
0xd7: {  	v4 =	vadd.s32 v1, v4;
	_ =	sdelay $0x3  }
0xd8: {  	s25 =	simm.s32 $0x1B200;
	v3 =	vperm.xlane v3, v2  }
0xd9: {  	[tilespmem:s25], [sflag:$0x1] =	stream.indirect_vreg.gather [hbm4b:s2+s3], $0x80, v4, vm0, $0xb8;
	[tilespmem:$0x1E200] =	vst v63  }
0xda: {  	s30 =	simm.s32 $0x1BA00;
	v3 =	vadd.s32 v1, v3  }
0xdb: {  	[tilespmem:s30], [sflag:$0x1] =	stream.indirect_vreg.gather [hbm4b:s6+s3], $0x80, v4, vm0, $0xb8;
	[tilespmem:$0x1E200] =	vst v63  }
0xdc: {  	s0 =	simm.s32 $0x1C200  }
0xdd: {  	[tilespmem:s0], [sflag:$0x1] =	stream.indirect_vreg.gather [hbm4b:s7+s3], $0x80, v4, vm0, $0xb8;
	[tilespmem:$0x1E200] =	vst v63  }
0xde: {  	s17 =	simm.s32 $0x1CA00  }
0xdf: {  	[tilespmem:s17], [sflag:$0x1] =	stream.indirect_vreg.gather [hbm4b:s2+s3], $0x80, v3, vm0, $0xb8;
	[tilespmem:$0x1E200] =	vst v63  }
0xe0: {  	s18 =	simm.s32 $0x1D200  }
0xe1: {  	[tilespmem:s18], [sflag:$0x1] =	stream.indirect_vreg.gather [hbm4b:s6+s3], $0x80, v3, vm0, $0xb8;
	[tilespmem:$0x1E200] =	vst v63  }
0xe2: {  	s19 =	simm.s32 $0x1DA00  }
0xe3: {  	[tilespmem:s19], [sflag:$0x1] =	stream.indirect_vreg.gather [hbm4b:s7+s3], $0x80, v3, vm0, $0xb8;
	[tilespmem:$0x1E200] =	vst v63  }
0xe4: {  	_ =	swait.ge [sflag:s5], $0x6000  }
0xe5: {  	[sflag:s5] =	ssyncset.done $0x0  }
0xe6: {  	s22 =	rddreg [dreg:$0x15];
	[sflag:s5] =	ssyncadd.s32 $0xFFFFA000  }
0xe7: {  	[hbm4b:s22+s3] =	stream.linear.scatter [tilespmem:s1], [sflag:$0x2], $0x6000, $0x38;
	[tilespmem:$0x1E200] =	vst v63  }
0xe8: {  	_ =	swait.ge [sflag:s5], $0x6000  }
0xe9: {  	[sflag:s5] =	ssyncset.done $0x0  }
0xea: {  	s25 =	rddreg [dreg:$0x5];
	[sflag:s5] =	ssyncadd.s32 $0xFFFFA000  }
0xeb: {  	[hbm4b:s25+s3] =	stream.linear.scatter [tilespmem:s23], [sflag:$0x2], $0x6000, $0x38;
	[tilespmem:$0x1E200] =	vst v63  }
0xec: {  	_ =	swait.ge [sflag:s29], $0x6000  }
0xed: {  	[sflag:s29] =	ssyncset.done $0x0  }
0xee: {  	[sflag:s29] =	ssyncadd.s32 $0xFFFFA000  }
0xef: {  	v3 =	vld [tilespmem:$0xA0];
	_ =	sdelay $0x4  }
0xf0: {  	v42 =	vshrl.u32 v3, $0x3  }
0xf1: {  	v4 =	vmul.u32 $0x30, v42  }
0xf2: {  	v3 =	vand.u32 $0x7, v3  }
0xf3: {  	v3 =	vor.u32 v3, v4  }
0xf4: {  	v4 =	vperm.xlane v3, v0;
	_ =	sdelay $0x1  }
0xf5: {  	v4 =	vadd.s32 v1, v4;
	_ =	sdelay $0x3  }
0xf6: {  	v3 =	vperm.xlane v3, v2  }
0xf7: {  	[tilespmem:s1], [sflag:$0x1] =	stream.indirect_vreg.gather [hbm4b:s2+s3], $0x80, v4, vm0, $0xb8;
	[tilespmem:$0x1E200] =	vst v63  }
0xf8: {  	s16 =	simm.s32 $0xA00;
	v3 =	vadd.s32 v1, v3  }
0xf9: {  	[tilespmem:s16], [sflag:$0x1] =	stream.indirect_vreg.gather [hbm4b:s6+s3], $0x80, v4, vm0, $0xb8;
	[tilespmem:$0x1E200] =	vst v63  }
0xfa: {  	s17 =	simm.s32 $0x1200  }
0xfb: {  	[tilespmem:s17], [sflag:$0x1] =	stream.indirect_vreg.gather [hbm4b:s7+s3], $0x80, v4, vm0, $0xb8;
	[tilespmem:$0x1E200] =	vst v63  }
0xfc: {  	s18 =	simm.s32 $0x1A00  }
0xfd: {  	[tilespmem:s18], [sflag:$0x1] =	stream.indirect_vreg.gather [hbm4b:s2+s3], $0x80, v3, vm0, $0xb8;
	[tilespmem:$0x1E200] =	vst v63  }
0xfe: {  	s19 =	simm.s32 $0x2200  }
0xff: {  	[tilespmem:s19], [sflag:$0x1] =	stream.indirect_vreg.gather [hbm4b:s6+s3], $0x80, v3, vm0, $0xb8;
	[tilespmem:$0x1E200] =	vst v63  }
0x100: {  	s20 =	simm.s32 $0x2A00  }
0x101: {  	[tilespmem:s20], [sflag:$0x1] =	stream.indirect_vreg.gather [hbm4b:s7+s3], $0x80, v3, vm0, $0xb8;
	[tilespmem:$0x1E200] =	vst v63  }
0x102: {  	v3 =	vld [tilespmem:$0xB0];
	_ =	sdelay $0x4  }
0x103: {  	v43 =	vshrl.u32 v3, $0x3  }
0x104: {  	v4 =	vmul.u32 $0x30, v43  }
0x105: {  	v3 =	vand.u32 $0x7, v3  }
0x106: {  	v3 =	vor.u32 v3, v4  }
0x107: {  	v4 =	vperm.xlane v3, v0;
	_ =	sdelay $0x1  }
0x108: {  	v4 =	vadd.s32 v1, v4;
	_ =	sdelay $0x3  }
0x109: {  	s21 =	simm.s32 $0x3200;
	v3 =	vperm.xlane v3, v2  }
0x10a: {  	[tilespmem:s21], [sflag:$0x1] =	stream.indirect_vreg.gather [hbm4b:s2+s3], $0x80, v4, vm0, $0xb8;
	[tilespmem:$0x1E200] =	vst v63  }
0x10b: {  	s20 =	simm.s32 $0x3A00;
	v3 =	vadd.s32 v1, v3  }
0x10c: {  	[tilespmem:s20], [sflag:$0x1] =	stream.indirect_vreg.gather [hbm4b:s6+s3], $0x80, v4, vm0, $0xb8;
	[tilespmem:$0x1E200] =	vst v63  }
0x10d: {  	s21 =	simm.s32 $0x4200  }
0x10e: {  	[tilespmem:s21], [sflag:$0x1] =	stream.indirect_vreg.gather [hbm4b:s7+s3], $0x80, v4, vm0, $0xb8;
	[tilespmem:$0x1E200] =	vst v63  }
0x10f: {  	s22 =	simm.s32 $0x4A00  }
0x110: {  	[tilespmem:s22], [sflag:$0x1] =	stream.indirect_vreg.gather [hbm4b:s2+s3], $0x80, v3, vm0, $0xb8;
	[tilespmem:$0x1E200] =	vst v63  }
0x111: {  	s25 =	simm.s32 $0x5200  }
0x112: {  	[tilespmem:s25], [sflag:$0x1] =	stream.indirect_vreg.gather [hbm4b:s6+s3], $0x80, v3, vm0, $0xb8;
	[tilespmem:$0x1E200] =	vst v63  }
0x113: {  	s4 =	simm.s32 $0x5A00  }
0x114: {  	[tilespmem:s4], [sflag:$0x1] =	stream.indirect_vreg.gather [hbm4b:s7+s3], $0x80, v3, vm0, $0xb8;
	[tilespmem:$0x1E200] =	vst v63  }
0x115: {  	_ =	swait.ge [sflag:s5], $0x6000  }
0x116: {  	[sflag:s5] =	ssyncset.done $0x0  }
0x117: {  	s0 =	rddreg [dreg:$0x6];
	[sflag:s5] =	ssyncadd.s32 $0xFFFFA000  }
0x118: {  	[hbm4b:s0+s3] =	stream.linear.scatter [tilespmem:s31], [sflag:$0x2], $0x6000, $0x38;
	[tilespmem:$0x1E200] =	vst v63  }
0x119: {  	_ =	swait.ge [sflag:s29], $0x6000  }
0x11a: {  	[sflag:s29] =	ssyncset.done $0x0  }
0x11b: {  	[sflag:s29] =	ssyncadd.s32 $0xFFFFA000  }
0x11c: {  	v3 =	vld [tilespmem:$0xC0];
	_ =	sdelay $0x4  }
0x11d: {  	v44 =	vshrl.u32 v3, $0x3  }
0x11e: {  	v4 =	vmul.u32 $0x30, v44  }
0x11f: {  	v3 =	vand.u32 $0x7, v3  }
0x120: {  	v3 =	vor.u32 v3, v4  }
0x121: {  	v4 =	vperm.xlane v3, v0;
	_ =	sdelay $0x1  }
0x122: {  	v4 =	vadd.s32 v1, v4;
	_ =	sdelay $0x3  }
0x123: {  	v3 =	vperm.xlane v3, v2  }
0x124: {  	[tilespmem:s23], [sflag:$0x1] =	stream.indirect_vreg.gather [hbm4b:s2+s3], $0x80, v4, vm0, $0xb8;
	[tilespmem:$0x1E200] =	vst v63  }
0x125: {  	s4 =	simm.s32 $0x6A00;
	v3 =	vadd.s32 v1, v3  }
0x126: {  	[tilespmem:s4], [sflag:$0x1] =	stream.indirect_vreg.gather [hbm4b:s6+s3], $0x80, v4, vm0, $0xb8;
	[tilespmem:$0x1E200] =	vst v63  }
0x127: {  	s30 =	simm.s32 $0x7200  }
0x128: {  	[tilespmem:s30], [sflag:$0x1] =	stream.indirect_vreg.gather [hbm4b:s7+s3], $0x80, v4, vm0, $0xb8;
	[tilespmem:$0x1E200] =	vst v63  }
0x129: {  	s4 =	simm.s32 $0x7A00  }
0x12a: {  	[tilespmem:s4], [sflag:$0x1] =	stream.indirect_vreg.gather [hbm4b:s2+s3], $0x80, v3, vm0, $0xb8;
	[tilespmem:$0x1E200] =	vst v63  }
0x12b: {  	s14 =	simm.s32 $0x8200  }
0x12c: {  	[tilespmem:s14], [sflag:$0x1] =	stream.indirect_vreg.gather [hbm4b:s6+s3], $0x80, v3, vm0, $0xb8;
	[tilespmem:$0x1E200] =	vst v63  }
0x12d: {  	s11 =	simm.s32 $0x8A00  }
0x12e: {  	[tilespmem:s11], [sflag:$0x1] =	stream.indirect_vreg.gather [hbm4b:s7+s3], $0x80, v3, vm0, $0xb8;
	[tilespmem:$0x1E200] =	vst v63  }
0x12f: {  	v3 =	vld [tilespmem:$0xD0];
	_ =	sdelay $0x4  }
0x130: {  	v45 =	vshrl.u32 v3, $0x3  }
0x131: {  	v4 =	vmul.u32 $0x30, v45  }
0x132: {  	v3 =	vand.u32 $0x7, v3  }
0x133: {  	v3 =	vor.u32 v3, v4  }
0x134: {  	v4 =	vperm.xlane v3, v0;
	_ =	sdelay $0x1  }
0x135: {  	v4 =	vadd.s32 v1, v4;
	_ =	sdelay $0x3  }
0x136: {  	s12 =	simm.s32 $0x9200;
	v3 =	vperm.xlane v3, v2  }
0x137: {  	[tilespmem:s12], [sflag:$0x1] =	stream.indirect_vreg.gather [hbm4b:s2+s3], $0x80, v4, vm0, $0xb8;
	[tilespmem:$0x1E200] =	vst v63  }
0x138: {  	s15 =	simm.s32 $0x9A00;
	v3 =	vadd.s32 v1, v3  }
0x139: {  	[tilespmem:s15], [sflag:$0x1] =	stream.indirect_vreg.gather [hbm4b:s6+s3], $0x80, v4, vm0, $0xb8;
	[tilespmem:$0x1E200] =	vst v63  }
0x13a: {  	s24 =	simm.s32 $0xA200  }
0x13b: {  	[tilespmem:s24], [sflag:$0x1] =	stream.indirect_vreg.gather [hbm4b:s7+s3], $0x80, v4, vm0, $0xb8;
	[tilespmem:$0x1E200] =	vst v63  }
0x13c: {  	s26 =	simm.s32 $0xAA00  }
0x13d: {  	[tilespmem:s26], [sflag:$0x1] =	stream.indirect_vreg.gather [hbm4b:s2+s3], $0x80, v3, vm0, $0xb8;
	[tilespmem:$0x1E200] =	vst v63  }
0x13e: {  	s28 =	simm.s32 $0xB200  }
0x13f: {  	[tilespmem:s28], [sflag:$0x1] =	stream.indirect_vreg.gather [hbm4b:s6+s3], $0x80, v3, vm0, $0xb8;
	[tilespmem:$0x1E200] =	vst v63  }
0x140: {  	s13 =	simm.s32 $0xBA00  }
0x141: {  	[tilespmem:s13], [sflag:$0x1] =	stream.indirect_vreg.gather [hbm4b:s7+s3], $0x80, v3, vm0, $0xb8;
	[tilespmem:$0x1E200] =	vst v63  }
0x142: {  	_ =	swait.ge [sflag:s5], $0x6000  }
0x143: {  	[sflag:s5] =	ssyncset.done $0x0  }
0x144: {  	s12 =	rddreg [dreg:$0x7];
	[sflag:s5] =	ssyncadd.s32 $0xFFFFA000  }
0x145: {  	[hbm4b:s12+s3] =	stream.linear.scatter [tilespmem:s10], [sflag:$0x2], $0x6000, $0x38;
	[tilespmem:$0x1E200] =	vst v63  }
0x146: {  	_ =	swait.ge [sflag:s29], $0x6000  }
0x147: {  	[sflag:s29] =	ssyncset.done $0x0  }
0x148: {  	[sflag:s29] =	ssyncadd.s32 $0xFFFFA000  }
0x149: {  	v3 =	vld [tilespmem:$0xE0];
	_ =	sdelay $0x4  }
0x14a: {  	v46 =	vshrl.u32 v3, $0x3  }
0x14b: {  	v4 =	vmul.u32 $0x30, v46  }
0x14c: {  	v3 =	vand.u32 $0x7, v3  }
0x14d: {  	v3 =	vor.u32 v3, v4  }
0x14e: {  	v4 =	vperm.xlane v3, v0;
	_ =	sdelay $0x1  }
0x14f: {  	v4 =	vadd.s32 v1, v4;
	_ =	sdelay $0x3  }
0x150: {  	v3 =	vperm.xlane v3, v2  }
0x151: {  	[tilespmem:s31], [sflag:$0x1] =	stream.indirect_vreg.gather [hbm4b:s2+s3], $0x80, v4, vm0, $0xb8;
	[tilespmem:$0x1E200] =	vst v63  }
0x152: {  	s13 =	simm.s32 $0xCA00;
	v3 =	vadd.s32 v1, v3  }
0x153: {  	[tilespmem:s13], [sflag:$0x1] =	stream.indirect_vreg.gather [hbm4b:s6+s3], $0x80, v4, vm0, $0xb8;
	[tilespmem:$0x1E200] =	vst v63  }
0x154: {  	s14 =	simm.s32 $0xD200  }
0x155: {  	[tilespmem:s14], [sflag:$0x1] =	stream.indirect_vreg.gather [hbm4b:s7+s3], $0x80, v4, vm0, $0xb8;
	[tilespmem:$0x1E200] =	vst v63  }
0x156: {  	s15 =	simm.s32 $0xDA00  }
0x157: {  	[tilespmem:s15], [sflag:$0x1] =	stream.indirect_vreg.gather [hbm4b:s2+s3], $0x80, v3, vm0, $0xb8;
	[tilespmem:$0x1E200] =	vst v63  }
0x158: {  	s24 =	simm.s32 $0xE200  }
0x159: {  	[tilespmem:s24], [sflag:$0x1] =	stream.indirect_vreg.gather [hbm4b:s6+s3], $0x80, v3, vm0, $0xb8;
	[tilespmem:$0x1E200] =	vst v63  }
0x15a: {  	s26 =	simm.s32 $0xEA00  }
0x15b: {  	[tilespmem:s26], [sflag:$0x1] =	stream.indirect_vreg.gather [hbm4b:s7+s3], $0x80, v3, vm0, $0xb8;
	[tilespmem:$0x1E200] =	vst v63  }
0x15c: {  	v3 =	vld [tilespmem:$0xF0];
	_ =	sdelay $0x4  }
0x15d: {  	v47 =	vshrl.u32 v3, $0x3  }
0x15e: {  	v4 =	vmul.u32 $0x30, v47  }
0x15f: {  	v3 =	vand.u32 $0x7, v3  }
0x160: {  	v3 =	vor.u32 v3, v4  }
0x161: {  	v4 =	vperm.xlane v3, v0;
	_ =	sdelay $0x1  }
0x162: {  	v4 =	vadd.s32 v1, v4;
	_ =	sdelay $0x3  }
0x163: {  	s28 =	simm.s32 $0xF200;
	v3 =	vperm.xlane v3, v2  }
0x164: {  	[tilespmem:s28], [sflag:$0x1] =	stream.indirect_vreg.gather [hbm4b:s2+s3], $0x80, v4, vm0, $0xb8;
	[tilespmem:$0x1E200] =	vst v63  }
0x165: {  	s30 =	simm.s32 $0xFA00;
	v3 =	vadd.s32 v1, v3  }
0x166: {  	[tilespmem:s30], [sflag:$0x1] =	stream.indirect_vreg.gather [hbm4b:s6+s3], $0x80, v4, vm0, $0xb8;
	[tilespmem:$0x1E200] =	vst v63  }
0x167: {  	s4 =	simm.s32 $0x10200  }
0x168: {  	[tilespmem:s4], [sflag:$0x1] =	stream.indirect_vreg.gather [hbm4b:s7+s3], $0x80, v4, vm0, $0xb8;
	[tilespmem:$0x1E200] =	vst v63  }
0x169: {  	s11 =	simm.s32 $0x10A00  }
0x16a: {  	[tilespmem:s11], [sflag:$0x1] =	stream.indirect_vreg.gather [hbm4b:s2+s3], $0x80, v3, vm0, $0xb8;
	[tilespmem:$0x1E200] =	vst v63  }
0x16b: {  	s12 =	simm.s32 $0x11200  }
0x16c: {  	[tilespmem:s12], [sflag:$0x1] =	stream.indirect_vreg.gather [hbm4b:s6+s3], $0x80, v3, vm0, $0xb8;
	[tilespmem:$0x1E200] =	vst v63  }
0x16d: {  	s13 =	simm.s32 $0x11A00  }
0x16e: {  	[tilespmem:s13], [sflag:$0x1] =	stream.indirect_vreg.gather [hbm4b:s7+s3], $0x80, v3, vm0, $0xb8;
	[tilespmem:$0x1E200] =	vst v63  }
0x16f: {  	_ =	swait.ge [sflag:s5], $0x6000  }
0x170: {  	[sflag:s5] =	ssyncset.done $0x0  }
0x171: {  	s14 =	rddreg [dreg:$0x8];
	[sflag:s5] =	ssyncadd.s32 $0xFFFFA000  }
0x172: {  	[hbm4b:s14+s3] =	stream.linear.scatter [tilespmem:s9], [sflag:$0x2], $0x6000, $0x38;
	[tilespmem:$0x1E200] =	vst v63  }
0x173: {  	_ =	swait.ge [sflag:s29], $0x6000  }
0x174: {  	[sflag:s29] =	ssyncset.done $0x0  }
0x175: {  	[sflag:s29] =	ssyncadd.s32 $0xFFFFA000  }
0x176: {  	v3 =	vld [tilespmem:$0x100];
	_ =	sdelay $0x4  }
0x177: {  	v48 =	vshrl.u32 v3, $0x3  }
0x178: {  	v4 =	vmul.u32 $0x30, v48  }
0x179: {  	v3 =	vand.u32 $0x7, v3  }
0x17a: {  	v3 =	vor.u32 v3, v4  }
0x17b: {  	v4 =	vperm.xlane v3, v0;
	_ =	sdelay $0x1  }
0x17c: {  	v4 =	vadd.s32 v1, v4;
	_ =	sdelay $0x3  }
0x17d: {  	v3 =	vperm.xlane v3, v2  }
0x17e: {  	[tilespmem:s10], [sflag:$0x1] =	stream.indirect_vreg.gather [hbm4b:s2+s3], $0x80, v4, vm0, $0xb8;
	[tilespmem:$0x1E200] =	vst v63  }
0x17f: {  	s15 =	simm.s32 $0x12A00;
	v3 =	vadd.s32 v1, v3  }
0x180: {  	[tilespmem:s15], [sflag:$0x1] =	stream.indirect_vreg.gather [hbm4b:s6+s3], $0x80, v4, vm0, $0xb8;
	[tilespmem:$0x1E200] =	vst v63  }
0x181: {  	s24 =	simm.s32 $0x13200  }
0x182: {  	[tilespmem:s24], [sflag:$0x1] =	stream.indirect_vreg.gather [hbm4b:s7+s3], $0x80, v4, vm0, $0xb8;
	[tilespmem:$0x1E200] =	vst v63  }
0x183: {  	s26 =	simm.s32 $0x13A00  }
0x184: {  	[tilespmem:s26], [sflag:$0x1] =	stream.indirect_vreg.gather [hbm4b:s2+s3], $0x80, v3, vm0, $0xb8;
	[tilespmem:$0x1E200] =	vst v63  }
0x185: {  	s28 =	simm.s32 $0x14200  }
0x186: {  	[tilespmem:s28], [sflag:$0x1] =	stream.indirect_vreg.gather [hbm4b:s6+s3], $0x80, v3, vm0, $0xb8;
	[tilespmem:$0x1E200] =	vst v63  }
0x187: {  	s30 =	simm.s32 $0x14A00  }
0x188: {  	[tilespmem:s30], [sflag:$0x1] =	stream.indirect_vreg.gather [hbm4b:s7+s3], $0x80, v3, vm0, $0xb8;
	[tilespmem:$0x1E200] =	vst v63  }
0x189: {  	v3 =	vld [tilespmem:$0x110];
	_ =	sdelay $0x4  }
0x18a: {  	v49 =	vshrl.u32 v3, $0x3  }
0x18b: {  	v4 =	vmul.u32 $0x30, v49  }
0x18c: {  	v3 =	vand.u32 $0x7, v3  }
0x18d: {  	v3 =	vor.u32 v3, v4  }
0x18e: {  	v4 =	vperm.xlane v3, v0;
	_ =	sdelay $0x1  }
0x18f: {  	v4 =	vadd.s32 v1, v4;
	_ =	sdelay $0x3  }
0x190: {  	s4 =	simm.s32 $0x15200;
	v3 =	vperm.xlane v3, v2  }
0x191: {  	[tilespmem:s4], [sflag:$0x1] =	stream.indirect_vreg.gather [hbm4b:s2+s3], $0x80, v4, vm0, $0xb8;
	[tilespmem:$0x1E200] =	vst v63  }
0x192: {  	s11 =	simm.s32 $0x15A00;
	v3 =	vadd.s32 v1, v3  }
0x193: {  	[tilespmem:s11], [sflag:$0x1] =	stream.indirect_vreg.gather [hbm4b:s6+s3], $0x80, v4, vm0, $0xb8;
	[tilespmem:$0x1E200] =	vst v63  }
0x194: {  	s12 =	simm.s32 $0x16200  }
0x195: {  	[tilespmem:s12], [sflag:$0x1] =	stream.indirect_vreg.gather [hbm4b:s7+s3], $0x80, v4, vm0, $0xb8;
	[tilespmem:$0x1E200] =	vst v63  }
0x196: {  	s13 =	simm.s32 $0x16A00  }
0x197: {  	[tilespmem:s13], [sflag:$0x1] =	stream.indirect_vreg.gather [hbm4b:s2+s3], $0x80, v3, vm0, $0xb8;
	[tilespmem:$0x1E200] =	vst v63  }
0x198: {  	s14 =	simm.s32 $0x17200  }
0x199: {  	[tilespmem:s14], [sflag:$0x1] =	stream.indirect_vreg.gather [hbm4b:s6+s3], $0x80, v3, vm0, $0xb8;
	[tilespmem:$0x1E200] =	vst v63  }
0x19a: {  	s15 =	simm.s32 $0x17A00  }
0x19b: {  	[tilespmem:s15], [sflag:$0x1] =	stream.indirect_vreg.gather [hbm4b:s7+s3], $0x80, v3, vm0, $0xb8;
	[tilespmem:$0x1E200] =	vst v63  }
0x19c: {  	_ =	swait.ge [sflag:s5], $0x6000  }
0x19d: {  	[sflag:s5] =	ssyncset.done $0x0  }
0x19e: {  	s24 =	rddreg [dreg:$0x9];
	[sflag:s5] =	ssyncadd.s32 $0xFFFFA000  }
0x19f: {  	[hbm4b:s24+s3] =	stream.linear.scatter [tilespmem:s1], [sflag:$0x2], $0x6000, $0x38;
	[tilespmem:$0x1E200] =	vst v63  }
0x1a0: {  	_ =	swait.ge [sflag:s29], $0x6000  }
0x1a1: {  	[sflag:s29] =	ssyncset.done $0x0  }
0x1a2: {  	[sflag:s29] =	ssyncadd.s32 $0xFFFFA000  }
0x1a3: {  	v3 =	vld [tilespmem:$0x120];
	_ =	sdelay $0x4  }
0x1a4: {  	v50 =	vshrl.u32 v3, $0x3  }
0x1a5: {  	v4 =	vmul.u32 $0x30, v50  }
0x1a6: {  	v3 =	vand.u32 $0x7, v3  }
0x1a7: {  	v3 =	vor.u32 v3, v4  }
0x1a8: {  	v4 =	vperm.xlane v3, v0;
	_ =	sdelay $0x1  }
0x1a9: {  	v4 =	vadd.s32 v1, v4;
	_ =	sdelay $0x3  }
0x1aa: {  	v3 =	vperm.xlane v3, v2  }
0x1ab: {  	[tilespmem:s9], [sflag:$0x1] =	stream.indirect_vreg.gather [hbm4b:s2+s3], $0x80, v4, vm0, $0xb8;
	[tilespmem:$0x1E200] =	vst v63  }
0x1ac: {  	s26 =	simm.s32 $0x18A00;
	v3 =	vadd.s32 v1, v3  }
0x1ad: {  	[tilespmem:s26], [sflag:$0x1] =	stream.indirect_vreg.gather [hbm4b:s6+s3], $0x80, v4, vm0, $0xb8;
	[tilespmem:$0x1E200] =	vst v63  }
0x1ae: {  	s0 =	simm.s32 $0x19200  }
0x1af: {  	[tilespmem:s0], [sflag:$0x1] =	stream.indirect_vreg.gather [hbm4b:s7+s3], $0x80, v4, vm0, $0xb8;
	[tilespmem:$0x1E200] =	vst v63  }
0x1b0: {  	s11 =	simm.s32 $0x19A00  }
0x1b1: {  	[tilespmem:s11], [sflag:$0x1] =	stream.indirect_vreg.gather [hbm4b:s2+s3], $0x80, v3, vm0, $0xb8;
	[tilespmem:$0x1E200] =	vst v63  }
0x1b2: {  	s12 =	simm.s32 $0x1A200  }
0x1b3: {  	[tilespmem:s12], [sflag:$0x1] =	stream.indirect_vreg.gather [hbm4b:s6+s3], $0x80, v3, vm0, $0xb8;
	[tilespmem:$0x1E200] =	vst v63  }
0x1b4: {  	s28 =	simm.s32 $0x1AA00  }
0x1b5: {  	[tilespmem:s28], [sflag:$0x1] =	stream.indirect_vreg.gather [hbm4b:s7+s3], $0x80, v3, vm0, $0xb8;
	[tilespmem:$0x1E200] =	vst v63  }
0x1b6: {  	v3 =	vld [tilespmem:$0x130];
	_ =	sdelay $0x4  }
0x1b7: {  	v51 =	vshrl.u32 v3, $0x3  }
0x1b8: {  	v4 =	vmul.u32 $0x30, v51  }
0x1b9: {  	v3 =	vand.u32 $0x7, v3  }
0x1ba: {  	v3 =	vor.u32 v3, v4  }
0x1bb: {  	v4 =	vperm.xlane v3, v0;
	_ =	sdelay $0x1  }
0x1bc: {  	v4 =	vadd.s32 v1, v4;
	_ =	sdelay $0x3  }
0x1bd: {  	s30 =	simm.s32 $0x1B200;
	v3 =	vperm.xlane v3, v2  }
0x1be: {  	[tilespmem:s30], [sflag:$0x1] =	stream.indirect_vreg.gather [hbm4b:s2+s3], $0x80, v4, vm0, $0xb8;
	[tilespmem:$0x1E200] =	vst v63  }
0x1bf: {  	s13 =	simm.s32 $0x1BA00;
	v3 =	vadd.s32 v1, v3  }
0x1c0: {  	[tilespmem:s13], [sflag:$0x1] =	stream.indirect_vreg.gather [hbm4b:s6+s3], $0x80, v4, vm0, $0xb8;
	[tilespmem:$0x1E200] =	vst v63  }
0x1c1: {  	s14 =	simm.s32 $0x1C200  }
0x1c2: {  	[tilespmem:s14], [sflag:$0x1] =	stream.indirect_vreg.gather [hbm4b:s7+s3], $0x80, v4, vm0, $0xb8;
	[tilespmem:$0x1E200] =	vst v63  }
0x1c3: {  	s15 =	simm.s32 $0x1CA00  }
0x1c4: {  	[tilespmem:s15], [sflag:$0x1] =	stream.indirect_vreg.gather [hbm4b:s2+s3], $0x80, v3, vm0, $0xb8;
	[tilespmem:$0x1E200] =	vst v63  }
0x1c5: {  	s24 =	simm.s32 $0x1D200  }
0x1c6: {  	[tilespmem:s24], [sflag:$0x1] =	stream.indirect_vreg.gather [hbm4b:s6+s3], $0x80, v3, vm0, $0xb8;
	[tilespmem:$0x1E200] =	vst v63  }
0x1c7: {  	s26 =	simm.s32 $0x1DA00  }
0x1c8: {  	[tilespmem:s26], [sflag:$0x1] =	stream.indirect_vreg.gather [hbm4b:s7+s3], $0x80, v3, vm0, $0xb8;
	[tilespmem:$0x1E200] =	vst v63  }
0x1c9: {  	_ =	swait.ge [sflag:s5], $0x6000  }
0x1ca: {  	[sflag:s5] =	ssyncset.done $0x0  }
0x1cb: {  	s4 =	rddreg [dreg:$0xa];
	[sflag:s5] =	ssyncadd.s32 $0xFFFFA000  }
0x1cc: {  	[hbm4b:s4+s3] =	stream.linear.scatter [tilespmem:s23], [sflag:$0x2], $0x6000, $0x38;
	[tilespmem:$0x1E200] =	vst v63  }
0x1cd: {  	_ =	swait.ge [sflag:s29], $0x6000  }
0x1ce: {  	[sflag:s29] =	ssyncset.done $0x0  }
0x1cf: {  	[sflag:s29] =	ssyncadd.s32 $0xFFFFA000  }
0x1d0: {  	v3 =	vld [tilespmem:$0x140];
	_ =	sdelay $0x4  }
0x1d1: {  	v52 =	vshrl.u32 v3, $0x3  }
0x1d2: {  	v4 =	vmul.u32 $0x30, v52  }
0x1d3: {  	v3 =	vand.u32 $0x7, v3  }
0x1d4: {  	v3 =	vor.u32 v3, v4  }
0x1d5: {  	v4 =	vperm.xlane v3, v0;
	_ =	sdelay $0x1  }
0x1d6: {  	v4 =	vadd.s32 v1, v4;
	_ =	sdelay $0x3  }
0x1d7: {  	v3 =	vperm.xlane v3, v2  }
0x1d8: {  	[tilespmem:s1], [sflag:$0x1] =	stream.indirect_vreg.gather [hbm4b:s2+s3], $0x80, v4, vm0, $0xb8;
	[tilespmem:$0x1E200] =	vst v63  }
0x1d9: {  	v3 =	vadd.s32 v1, v3  }
0x1da: {  	[tilespmem:s16], [sflag:$0x1] =	stream.indirect_vreg.gather [hbm4b:s6+s3], $0x80, v4, vm0, $0xb8;
	[tilespmem:$0x1E200] =	vst v63  }
0x1db: {  	_ = 	snop  }
0x1dc: {  	[tilespmem:s17], [sflag:$0x1] =	stream.indirect_vreg.gather [hbm4b:s7+s3], $0x80, v4, vm0, $0xb8;
	[tilespmem:$0x1E200] =	vst v63  }
0x1dd: {  	_ = 	snop  }
0x1de: {  	[tilespmem:s18], [sflag:$0x1] =	stream.indirect_vreg.gather [hbm4b:s2+s3], $0x80, v3, vm0, $0xb8;
	[tilespmem:$0x1E200] =	vst v63  }
0x1df: {  	_ = 	snop  }
0x1e0: {  	[tilespmem:s19], [sflag:$0x1] =	stream.indirect_vreg.gather [hbm4b:s6+s3], $0x80, v3, vm0, $0xb8;
	[tilespmem:$0x1E200] =	vst v63  }
0x1e1: {  	s28 =	simm.s32 $0x2A00  }
0x1e2: {  	[tilespmem:s28], [sflag:$0x1] =	stream.indirect_vreg.gather [hbm4b:s7+s3], $0x80, v3, vm0, $0xb8;
	[tilespmem:$0x1E200] =	vst v63  }
0x1e3: {  	v3 =	vld [tilespmem:$0x150];
	_ =	sdelay $0x4  }
0x1e4: {  	v53 =	vshrl.u32 v3, $0x3  }
0x1e5: {  	v4 =	vmul.u32 $0x30, v53  }
0x1e6: {  	v3 =	vand.u32 $0x7, v3  }
0x1e7: {  	v3 =	vor.u32 v3, v4  }
0x1e8: {  	v4 =	vperm.xlane v3, v0;
	_ =	sdelay $0x1  }
0x1e9: {  	v4 =	vadd.s32 v1, v4;
	_ =	sdelay $0x3  }
0x1ea: {  	s4 =	simm.s32 $0x3200;
	v3 =	vperm.xlane v3, v2  }
0x1eb: {  	[tilespmem:s4], [sflag:$0x1] =	stream.indirect_vreg.gather [hbm4b:s2+s3], $0x80, v4, vm0, $0xb8;
	[tilespmem:$0x1E200] =	vst v63  }
0x1ec: {  	v3 =	vadd.s32 v1, v3  }
0x1ed: {  	[tilespmem:s20], [sflag:$0x1] =	stream.indirect_vreg.gather [hbm4b:s6+s3], $0x80, v4, vm0, $0xb8;
	[tilespmem:$0x1E200] =	vst v63  }
0x1ee: {  	_ = 	snop  }
0x1ef: {  	[tilespmem:s21], [sflag:$0x1] =	stream.indirect_vreg.gather [hbm4b:s7+s3], $0x80, v4, vm0, $0xb8;
	[tilespmem:$0x1E200] =	vst v63  }
0x1f0: {  	_ = 	snop  }
0x1f1: {  	[tilespmem:s22], [sflag:$0x1] =	stream.indirect_vreg.gather [hbm4b:s2+s3], $0x80, v3, vm0, $0xb8;
	[tilespmem:$0x1E200] =	vst v63  }
0x1f2: {  	_ = 	snop  }
0x1f3: {  	[tilespmem:s25], [sflag:$0x1] =	stream.indirect_vreg.gather [hbm4b:s6+s3], $0x80, v3, vm0, $0xb8;
	[tilespmem:$0x1E200] =	vst v63  }
0x1f4: {  	s30 =	simm.s32 $0x5A00  }
0x1f5: {  	[tilespmem:s30], [sflag:$0x1] =	stream.indirect_vreg.gather [hbm4b:s7+s3], $0x80, v3, vm0, $0xb8;
	[tilespmem:$0x1E200] =	vst v63  }
0x1f6: {  	_ =	swait.ge [sflag:s5], $0x6000  }
0x1f7: {  	[sflag:s5] =	ssyncset.done $0x0  }
0x1f8: {  	s30 =	rddreg [dreg:$0xb];
	[sflag:s5] =	ssyncadd.s32 $0xFFFFA000  }
0x1f9: {  	[hbm4b:s30+s3] =	stream.linear.scatter [tilespmem:s31], [sflag:$0x2], $0x6000, $0x38;
	[tilespmem:$0x1E200] =	vst v63  }
0x1fa: {  	_ =	swait.ge [sflag:s29], $0x6000  }
0x1fb: {  	[sflag:s29] =	ssyncset.done $0x0  }
0x1fc: {  	[sflag:s29] =	ssyncadd.s32 $0xFFFFA000  }
0x1fd: {  	v3 =	vld [tilespmem:$0x160];
	_ =	sdelay $0x4  }
0x1fe: {  	v54 =	vshrl.u32 v3, $0x3  }
0x1ff: {  	v4 =	vmul.u32 $0x30, v54  }
0x200: {  	v3 =	vand.u32 $0x7, v3  }
0x201: {  	v3 =	vor.u32 v3, v4  }
0x202: {  	v4 =	vperm.xlane v3, v0;
	_ =	sdelay $0x1  }
0x203: {  	v4 =	vadd.s32 v1, v4;
	_ =	sdelay $0x3  }
0x204: {  	v3 =	vperm.xlane v3, v2  }
0x205: {  	[tilespmem:s23], [sflag:$0x1] =	stream.indirect_vreg.gather [hbm4b:s2+s3], $0x80, v4, vm0, $0xb8;
	[tilespmem:$0x1E200] =	vst v63  }
0x206: {  	s30 =	simm.s32 $0x6A00;
	v3 =	vadd.s32 v1, v3  }
0x207: {  	[tilespmem:s30], [sflag:$0x1] =	stream.indirect_vreg.gather [hbm4b:s6+s3], $0x80, v4, vm0, $0xb8;
	[tilespmem:$0x1E200] =	vst v63  }
0x208: {  	s30 =	simm.s32 $0x7200  }
0x209: {  	[tilespmem:s30], [sflag:$0x1] =	stream.indirect_vreg.gather [hbm4b:s7+s3], $0x80, v4, vm0, $0xb8;
	[tilespmem:$0x1E200] =	vst v63  }
0x20a: {  	s30 =	simm.s32 $0x7A00  }
0x20b: {  	[tilespmem:s30], [sflag:$0x1] =	stream.indirect_vreg.gather [hbm4b:s2+s3], $0x80, v3, vm0, $0xb8;
	[tilespmem:$0x1E200] =	vst v63  }
0x20c: {  	s30 =	simm.s32 $0x8200  }
0x20d: {  	[tilespmem:s30], [sflag:$0x1] =	stream.indirect_vreg.gather [hbm4b:s6+s3], $0x80, v3, vm0, $0xb8;
	[tilespmem:$0x1E200] =	vst v63  }
0x20e: {  	s30 =	simm.s32 $0x8A00  }
0x20f: {  	[tilespmem:s30], [sflag:$0x1] =	stream.indirect_vreg.gather [hbm4b:s7+s3], $0x80, v3, vm0, $0xb8;
	[tilespmem:$0x1E200] =	vst v63  }
0x210: {  	v3 =	vld [tilespmem:$0x170];
	_ =	sdelay $0x4  }
0x211: {  	v55 =	vshrl.u32 v3, $0x3  }
0x212: {  	v4 =	vmul.u32 $0x30, v55  }
0x213: {  	v3 =	vand.u32 $0x7, v3  }
0x214: {  	v3 =	vor.u32 v3, v4  }
0x215: {  	v4 =	vperm.xlane v3, v0;
	_ =	sdelay $0x1  }
0x216: {  	v4 =	vadd.s32 v1, v4;
	_ =	sdelay $0x3  }
0x217: {  	s30 =	simm.s32 $0x9200;
	v3 =	vperm.xlane v3, v2  }
0x218: {  	[tilespmem:s30], [sflag:$0x1] =	stream.indirect_vreg.gather [hbm4b:s2+s3], $0x80, v4, vm0, $0xb8;
	[tilespmem:$0x1E200] =	vst v63  }
0x219: {  	v3 =	vadd.s32 v1, v3;
	s30 =	simm.s32 $0x9A00  }
0x21a: {  	[tilespmem:s30], [sflag:$0x1] =	stream.indirect_vreg.gather [hbm4b:s6+s3], $0x80, v4, vm0, $0xb8;
	[tilespmem:$0x1E200] =	vst v63  }
0x21b: {  	s30 =	simm.s32 $0xA200  }
0x21c: {  	[tilespmem:s30], [sflag:$0x1] =	stream.indirect_vreg.gather [hbm4b:s7+s3], $0x80, v4, vm0, $0xb8;
	[tilespmem:$0x1E200] =	vst v63  }
0x21d: {  	s30 =	simm.s32 $0xAA00  }
0x21e: {  	[tilespmem:s30], [sflag:$0x1] =	stream.indirect_vreg.gather [hbm4b:s2+s3], $0x80, v3, vm0, $0xb8;
	[tilespmem:$0x1E200] =	vst v63  }
0x21f: {  	s30 =	simm.s32 $0xB200  }
0x220: {  	[tilespmem:s30], [sflag:$0x1] =	stream.indirect_vreg.gather [hbm4b:s6+s3], $0x80, v3, vm0, $0xb8;
	[tilespmem:$0x1E200] =	vst v63  }
0x221: {  	s30 =	simm.s32 $0xBA00  }
0x222: {  	[tilespmem:s30], [sflag:$0x1] =	stream.indirect_vreg.gather [hbm4b:s7+s3], $0x80, v3, vm0, $0xb8;
	[tilespmem:$0x1E200] =	vst v63  }
0x223: {  	_ =	swait.ge [sflag:s5], $0x6000  }
0x224: {  	[sflag:s5] =	ssyncset.done $0x0  }
0x225: {  	s30 =	rddreg [dreg:$0xc];
	[sflag:s5] =	ssyncadd.s32 $0xFFFFA000  }
0x226: {  	[hbm4b:s30+s3] =	stream.linear.scatter [tilespmem:s10], [sflag:$0x2], $0x6000, $0x38;
	[tilespmem:$0x1E200] =	vst v63  }
0x227: {  	_ =	swait.ge [sflag:s29], $0x6000  }
0x228: {  	[sflag:s29] =	ssyncset.done $0x0  }
0x229: {  	[sflag:s29] =	ssyncadd.s32 $0xFFFFA000  }
0x22a: {  	v3 =	vld [tilespmem:$0x180];
	_ =	sdelay $0x4  }
0x22b: {  	v56 =	vshrl.u32 v3, $0x3  }
0x22c: {  	v4 =	vmul.u32 $0x30, v56  }
0x22d: {  	v3 =	vand.u32 $0x7, v3  }
0x22e: {  	v3 =	vor.u32 v3, v4  }
0x22f: {  	v4 =	vperm.xlane v3, v0;
	_ =	sdelay $0x1  }
0x230: {  	v4 =	vadd.s32 v1, v4;
	_ =	sdelay $0x3  }
0x231: {  	v3 =	vperm.xlane v3, v2  }
0x232: {  	[tilespmem:s31], [sflag:$0x1] =	stream.indirect_vreg.gather [hbm4b:s2+s3], $0x80, v4, vm0, $0xb8;
	[tilespmem:$0x1E200] =	vst v63  }
0x233: {  	s30 =	simm.s32 $0xCA00;
	v3 =	vadd.s32 v1, v3  }
0x234: {  	[tilespmem:s30], [sflag:$0x1] =	stream.indirect_vreg.gather [hbm4b:s6+s3], $0x80, v4, vm0, $0xb8;
	[tilespmem:$0x1E200] =	vst v63  }
0x235: {  	s30 =	simm.s32 $0xD200  }
0x236: {  	[tilespmem:s30], [sflag:$0x1] =	stream.indirect_vreg.gather [hbm4b:s7+s3], $0x80, v4, vm0, $0xb8;
	[tilespmem:$0x1E200] =	vst v63  }
0x237: {  	s30 =	simm.s32 $0xDA00  }
0x238: {  	[tilespmem:s30], [sflag:$0x1] =	stream.indirect_vreg.gather [hbm4b:s2+s3], $0x80, v3, vm0, $0xb8;
	[tilespmem:$0x1E200] =	vst v63  }
0x239: {  	s30 =	simm.s32 $0xE200  }
0x23a: {  	[tilespmem:s30], [sflag:$0x1] =	stream.indirect_vreg.gather [hbm4b:s6+s3], $0x80, v3, vm0, $0xb8;
	[tilespmem:$0x1E200] =	vst v63  }
0x23b: {  	s30 =	simm.s32 $0xEA00  }
0x23c: {  	[tilespmem:s30], [sflag:$0x1] =	stream.indirect_vreg.gather [hbm4b:s7+s3], $0x80, v3, vm0, $0xb8;
	[tilespmem:$0x1E200] =	vst v63  }
0x23d: {  	v3 =	vld [tilespmem:$0x190];
	_ =	sdelay $0x4  }
0x23e: {  	v57 =	vshrl.u32 v3, $0x3  }
0x23f: {  	v4 =	vmul.u32 $0x30, v57  }
0x240: {  	v3 =	vand.u32 $0x7, v3  }
0x241: {  	v3 =	vor.u32 v3, v4  }
0x242: {  	v4 =	vperm.xlane v3, v0;
	_ =	sdelay $0x1  }
0x243: {  	v4 =	vadd.s32 v1, v4;
	_ =	sdelay $0x3  }
0x244: {  	s30 =	simm.s32 $0xF200;
	v3 =	vperm.xlane v3, v2  }
0x245: {  	[tilespmem:s30], [sflag:$0x1] =	stream.indirect_vreg.gather [hbm4b:s2+s3], $0x80, v4, vm0, $0xb8;
	[tilespmem:$0x1E200] =	vst v63  }
0x246: {  	v3 =	vadd.s32 v1, v3;
	s30 =	simm.s32 $0xFA00  }
0x247: {  	[tilespmem:s30], [sflag:$0x1] =	stream.indirect_vreg.gather [hbm4b:s6+s3], $0x80, v4, vm0, $0xb8;
	[tilespmem:$0x1E200] =	vst v63  }
0x248: {  	s30 =	simm.s32 $0x10200  }
0x249: {  	[tilespmem:s30], [sflag:$0x1] =	stream.indirect_vreg.gather [hbm4b:s7+s3], $0x80, v4, vm0, $0xb8;
	[tilespmem:$0x1E200] =	vst v63  }
0x24a: {  	s30 =	simm.s32 $0x10A00  }
0x24b: {  	[tilespmem:s30], [sflag:$0x1] =	stream.indirect_vreg.gather [hbm4b:s2+s3], $0x80, v3, vm0, $0xb8;
	[tilespmem:$0x1E200] =	vst v63  }
0x24c: {  	s30 =	simm.s32 $0x11200  }
0x24d: {  	[tilespmem:s30], [sflag:$0x1] =	stream.indirect_vreg.gather [hbm4b:s6+s3], $0x80, v3, vm0, $0xb8;
	[tilespmem:$0x1E200] =	vst v63  }
0x24e: {  	s30 =	simm.s32 $0x11A00  }
0x24f: {  	[tilespmem:s30], [sflag:$0x1] =	stream.indirect_vreg.gather [hbm4b:s7+s3], $0x80, v3, vm0, $0xb8;
	[tilespmem:$0x1E200] =	vst v63  }
0x250: {  	_ =	swait.ge [sflag:s5], $0x6000  }
0x251: {  	[sflag:s5] =	ssyncset.done $0x0  }
0x252: {  	s30 =	rddreg [dreg:$0xd];
	[sflag:s5] =	ssyncadd.s32 $0xFFFFA000  }
0x253: {  	[hbm4b:s30+s3] =	stream.linear.scatter [tilespmem:s9], [sflag:$0x2], $0x6000, $0x38;
	[tilespmem:$0x1E200] =	vst v63  }
0x254: {  	_ =	swait.ge [sflag:s29], $0x6000  }
0x255: {  	[sflag:s29] =	ssyncset.done $0x0  }
0x256: {  	[sflag:s29] =	ssyncadd.s32 $0xFFFFA000  }
0x257: {  	v3 =	vld [tilespmem:$0x1A0];
	_ =	sdelay $0x4  }
0x258: {  	v58 =	vshrl.u32 v3, $0x3  }
0x259: {  	v4 =	vmul.u32 $0x30, v58  }
0x25a: {  	v3 =	vand.u32 $0x7, v3  }
0x25b: {  	v3 =	vor.u32 v3, v4  }
0x25c: {  	v4 =	vperm.xlane v3, v0;
	_ =	sdelay $0x1  }
0x25d: {  	v4 =	vadd.s32 v1, v4;
	_ =	sdelay $0x3  }
0x25e: {  	v3 =	vperm.xlane v3, v2  }
0x25f: {  	[tilespmem:s10], [sflag:$0x1] =	stream.indirect_vreg.gather [hbm4b:s2+s3], $0x80, v4, vm0, $0xb8;
	[tilespmem:$0x1E200] =	vst v63  }
0x260: {  	s30 =	simm.s32 $0x12A00;
	v3 =	vadd.s32 v1, v3  }
0x261: {  	[tilespmem:s30], [sflag:$0x1] =	stream.indirect_vreg.gather [hbm4b:s6+s3], $0x80, v4, vm0, $0xb8;
	[tilespmem:$0x1E200] =	vst v63  }
0x262: {  	s30 =	simm.s32 $0x13200  }
0x263: {  	[tilespmem:s30], [sflag:$0x1] =	stream.indirect_vreg.gather [hbm4b:s7+s3], $0x80, v4, vm0, $0xb8;
	[tilespmem:$0x1E200] =	vst v63  }
0x264: {  	s30 =	simm.s32 $0x13A00  }
0x265: {  	[tilespmem:s30], [sflag:$0x1] =	stream.indirect_vreg.gather [hbm4b:s2+s3], $0x80, v3, vm0, $0xb8;
	[tilespmem:$0x1E200] =	vst v63  }
0x266: {  	s30 =	simm.s32 $0x14200  }
0x267: {  	[tilespmem:s30], [sflag:$0x1] =	stream.indirect_vreg.gather [hbm4b:s6+s3], $0x80, v3, vm0, $0xb8;
	[tilespmem:$0x1E200] =	vst v63  }
0x268: {  	s30 =	simm.s32 $0x14A00  }
0x269: {  	[tilespmem:s30], [sflag:$0x1] =	stream.indirect_vreg.gather [hbm4b:s7+s3], $0x80, v3, vm0, $0xb8;
	[tilespmem:$0x1E200] =	vst v63  }
0x26a: {  	v3 =	vld [tilespmem:$0x1B0];
	_ =	sdelay $0x4  }
0x26b: {  	v59 =	vshrl.u32 v3, $0x3  }
0x26c: {  	v4 =	vmul.u32 $0x30, v59  }
0x26d: {  	v3 =	vand.u32 $0x7, v3  }
0x26e: {  	v3 =	vor.u32 v3, v4  }
0x26f: {  	v4 =	vperm.xlane v3, v0;
	_ =	sdelay $0x1  }
0x270: {  	v4 =	vadd.s32 v1, v4;
	_ =	sdelay $0x3  }
0x271: {  	s30 =	simm.s32 $0x15200;
	v3 =	vperm.xlane v3, v2  }
0x272: {  	[tilespmem:s30], [sflag:$0x1] =	stream.indirect_vreg.gather [hbm4b:s2+s3], $0x80, v4, vm0, $0xb8;
	[tilespmem:$0x1E200] =	vst v63  }
0x273: {  	v3 =	vadd.s32 v1, v3;
	s30 =	simm.s32 $0x15A00  }
0x274: {  	[tilespmem:s30], [sflag:$0x1] =	stream.indirect_vreg.gather [hbm4b:s6+s3], $0x80, v4, vm0, $0xb8;
	[tilespmem:$0x1E200] =	vst v63  }
0x275: {  	s30 =	simm.s32 $0x16200  }
0x276: {  	[tilespmem:s30], [sflag:$0x1] =	stream.indirect_vreg.gather [hbm4b:s7+s3], $0x80, v4, vm0, $0xb8;
	[tilespmem:$0x1E200] =	vst v63  }
0x277: {  	s30 =	simm.s32 $0x16A00  }
0x278: {  	[tilespmem:s30], [sflag:$0x1] =	stream.indirect_vreg.gather [hbm4b:s2+s3], $0x80, v3, vm0, $0xb8;
	[tilespmem:$0x1E200] =	vst v63  }
0x279: {  	s30 =	simm.s32 $0x17200  }
0x27a: {  	[tilespmem:s30], [sflag:$0x1] =	stream.indirect_vreg.gather [hbm4b:s6+s3], $0x80, v3, vm0, $0xb8;
	[tilespmem:$0x1E200] =	vst v63  }
0x27b: {  	s30 =	simm.s32 $0x17A00  }
0x27c: {  	[tilespmem:s30], [sflag:$0x1] =	stream.indirect_vreg.gather [hbm4b:s7+s3], $0x80, v3, vm0, $0xb8;
	[tilespmem:$0x1E200] =	vst v63  }
0x27d: {  	_ =	swait.ge [sflag:s5], $0x6000  }
0x27e: {  	[sflag:s5] =	ssyncset.done $0x0  }
0x27f: {  	s30 =	rddreg [dreg:$0xe];
	[sflag:s5] =	ssyncadd.s32 $0xFFFFA000  }
0x280: {  	[hbm4b:s30+s3] =	stream.linear.scatter [tilespmem:s1], [sflag:$0x2], $0x6000, $0x38;
	[tilespmem:$0x1E200] =	vst v63  }
0x281: {  	_ =	swait.ge [sflag:s29], $0x6000  }
0x282: {  	[sflag:s29] =	ssyncset.done $0x0  }
0x283: {  	[sflag:s29] =	ssyncadd.s32 $0xFFFFA000  }
0x284: {  	v3 =	vld [tilespmem:$0x1C0];
	_ =	sdelay $0x4  }
0x285: {  	v60 =	vshrl.u32 v3, $0x3  }
0x286: {  	v4 =	vmul.u32 $0x30, v60  }
0x287: {  	v3 =	vand.u32 $0x7, v3  }
0x288: {  	v3 =	vor.u32 v3, v4  }
0x289: {  	v4 =	vperm.xlane v3, v0;
	_ =	sdelay $0x1  }
0x28a: {  	v4 =	vadd.s32 v1, v4;
	_ =	sdelay $0x3  }
0x28b: {  	v3 =	vperm.xlane v3, v2  }
0x28c: {  	[tilespmem:s9], [sflag:$0x1] =	stream.indirect_vreg.gather [hbm4b:s2+s3], $0x80, v4, vm0, $0xb8;
	[tilespmem:$0x1E200] =	vst v63  }
0x28d: {  	s30 =	simm.s32 $0x18A00;
	v3 =	vadd.s32 v1, v3  }
0x28e: {  	[tilespmem:s30], [sflag:$0x1] =	stream.indirect_vreg.gather [hbm4b:s6+s3], $0x80, v4, vm0, $0xb8;
	[tilespmem:$0x1E200] =	vst v63  }
0x28f: {  	_ = 	snop  }
0x290: {  	[tilespmem:s0], [sflag:$0x1] =	stream.indirect_vreg.gather [hbm4b:s7+s3], $0x80, v4, vm0, $0xb8;
	[tilespmem:$0x1E200] =	vst v63  }
0x291: {  	_ = 	snop  }
0x292: {  	[tilespmem:s11], [sflag:$0x1] =	stream.indirect_vreg.gather [hbm4b:s2+s3], $0x80, v3, vm0, $0xb8;
	[tilespmem:$0x1E200] =	vst v63  }
0x293: {  	_ = 	snop  }
0x294: {  	[tilespmem:s12], [sflag:$0x1] =	stream.indirect_vreg.gather [hbm4b:s6+s3], $0x80, v3, vm0, $0xb8;
	[tilespmem:$0x1E200] =	vst v63  }
0x295: {  	s11 =	simm.s32 $0x1AA00  }
0x296: {  	[tilespmem:s11], [sflag:$0x1] =	stream.indirect_vreg.gather [hbm4b:s7+s3], $0x80, v3, vm0, $0xb8;
	[tilespmem:$0x1E200] =	vst v63  }
0x297: {  	v3 =	vld [tilespmem:$0x1D0];
	_ =	sdelay $0x4  }
0x298: {  	v61 =	vshrl.u32 v3, $0x3  }
0x299: {  	v4 =	vmul.u32 $0x30, v61  }
0x29a: {  	v3 =	vand.u32 $0x7, v3  }
0x29b: {  	v3 =	vor.u32 v3, v4  }
0x29c: {  	v4 =	vperm.xlane v3, v0;
	_ =	sdelay $0x1  }
0x29d: {  	v4 =	vadd.s32 v1, v4;
	_ =	sdelay $0x3  }
0x29e: {  	s12 =	simm.s32 $0x1B200;
	v3 =	vperm.xlane v3, v2  }
0x29f: {  	[tilespmem:s12], [sflag:$0x1] =	stream.indirect_vreg.gather [hbm4b:s2+s3], $0x80, v4, vm0, $0xb8;
	[tilespmem:$0x1E200] =	vst v63  }
0x2a0: {  	v3 =	vadd.s32 v1, v3  }
0x2a1: {  	[tilespmem:s13], [sflag:$0x1] =	stream.indirect_vreg.gather [hbm4b:s6+s3], $0x80, v4, vm0, $0xb8;
	[tilespmem:$0x1E200] =	vst v63  }
0x2a2: {  	_ = 	snop  }
0x2a3: {  	[tilespmem:s14], [sflag:$0x1] =	stream.indirect_vreg.gather [hbm4b:s7+s3], $0x80, v4, vm0, $0xb8;
	[tilespmem:$0x1E200] =	vst v63  }
0x2a4: {  	_ = 	snop  }
0x2a5: {  	[tilespmem:s15], [sflag:$0x1] =	stream.indirect_vreg.gather [hbm4b:s2+s3], $0x80, v3, vm0, $0xb8;
	[tilespmem:$0x1E200] =	vst v63  }
0x2a6: {  	_ = 	snop  }
0x2a7: {  	[tilespmem:s24], [sflag:$0x1] =	stream.indirect_vreg.gather [hbm4b:s6+s3], $0x80, v3, vm0, $0xb8;
	[tilespmem:$0x1E200] =	vst v63  }
0x2a8: {  	_ = 	snop  }
0x2a9: {  	[tilespmem:s26], [sflag:$0x1] =	stream.indirect_vreg.gather [hbm4b:s7+s3], $0x80, v3, vm0, $0xb8;
	[tilespmem:$0x1E200] =	vst v63  }
0x2aa: {  	_ =	swait.ge [sflag:s5], $0x6000  }
0x2ab: {  	[sflag:s5] =	ssyncset.done $0x0  }
0x2ac: {  	s15 =	rddreg [dreg:$0xf];
	[sflag:s5] =	ssyncadd.s32 $0xFFFFA000  }
0x2ad: {  	[hbm4b:s15+s3] =	stream.linear.scatter [tilespmem:s23], [sflag:$0x2], $0x6000, $0x38;
	[tilespmem:$0x1E200] =	vst v63  }
0x2ae: {  	_ =	swait.ge [sflag:s29], $0x6000  }
0x2af: {  	[sflag:s29] =	ssyncset.done $0x0  }
0x2b0: {  	[sflag:s29] =	ssyncadd.s32 $0xFFFFA000  }
0x2b1: {  	v3 =	vld [tilespmem:$0x1E0];
	_ =	sdelay $0x4  }
0x2b2: {  	v62 =	vshrl.u32 v3, $0x3  }
0x2b3: {  	v4 =	vmul.u32 $0x30, v62  }
0x2b4: {  	v3 =	vand.u32 $0x7, v3  }
0x2b5: {  	v3 =	vor.u32 v3, v4  }
0x2b6: {  	v4 =	vperm.xlane v3, v0;
	_ =	sdelay $0x1  }
0x2b7: {  	v4 =	vadd.s32 v1, v4;
	_ =	sdelay $0x3  }
0x2b8: {  	v3 =	vperm.xlane v3, v2  }
0x2b9: {  	[tilespmem:s1], [sflag:$0x1] =	stream.indirect_vreg.gather [hbm4b:s2+s3], $0x80, v4, vm0, $0xb8;
	[tilespmem:$0x1E200] =	vst v63  }
0x2ba: {  	s16 =	simm.s32 $0xA00;
	v3 =	vadd.s32 v1, v3  }
0x2bb: {  	[tilespmem:s16], [sflag:$0x1] =	stream.indirect_vreg.gather [hbm4b:s6+s3], $0x80, v4, vm0, $0xb8;
	[tilespmem:$0x1E200] =	vst v63  }
0x2bc: {  	s17 =	simm.s32 $0x1200  }
0x2bd: {  	[tilespmem:s17], [sflag:$0x1] =	stream.indirect_vreg.gather [hbm4b:s7+s3], $0x80, v4, vm0, $0xb8;
	[tilespmem:$0x1E200] =	vst v63  }
0x2be: {  	s18 =	simm.s32 $0x1A00  }
0x2bf: {  	[tilespmem:s18], [sflag:$0x1] =	stream.indirect_vreg.gather [hbm4b:s2+s3], $0x80, v3, vm0, $0xb8;
	[tilespmem:$0x1E200] =	vst v63  }
0x2c0: {  	s19 =	simm.s32 $0x2200  }
0x2c1: {  	[tilespmem:s19], [sflag:$0x1] =	stream.indirect_vreg.gather [hbm4b:s6+s3], $0x80, v3, vm0, $0xb8;
	[tilespmem:$0x1E200] =	vst v63  }
0x2c2: {  	_ = 	snop  }
0x2c3: {  	[tilespmem:s28], [sflag:$0x1] =	stream.indirect_vreg.gather [hbm4b:s7+s3], $0x80, v3, vm0, $0xb8;
	[tilespmem:$0x1E200] =	vst v63  }
0x2c4: {  	v3 =	vld [tilespmem:$0x1F0];
	_ =	sdelay $0x4  }
0x2c5: {  	v63 =	vshrl.u32 v3, $0x3  }
0x2c6: {  	v4 =	vmul.u32 $0x30, v63  }
0x2c7: {  	v3 =	vand.u32 $0x7, v3  }
0x2c8: {  	v3 =	vor.u32 v3, v4  }
0x2c9: {  	v4 =	vperm.xlane v3, v0;
	_ =	sdelay $0x1  }
0x2ca: {  	v4 =	vadd.s32 v1, v4;
	_ =	sdelay $0x3  }
0x2cb: {  	v3 =	vperm.xlane v3, v2  }
0x2cc: {  	[tilespmem:s4], [sflag:$0x1] =	stream.indirect_vreg.gather [hbm4b:s2+s3], $0x80, v4, vm0, $0xb8;
	[tilespmem:$0x1E200] =	vst v63  }
0x2cd: {  	s20 =	simm.s32 $0x3A00;
	v3 =	vadd.s32 v1, v3  }
0x2ce: {  	[tilespmem:s20], [sflag:$0x1] =	stream.indirect_vreg.gather [hbm4b:s6+s3], $0x80, v4, vm0, $0xb8;
	[tilespmem:$0x1E200] =	vst v63  }
0x2cf: {  	s21 =	simm.s32 $0x4200  }
0x2d0: {  	[tilespmem:s21], [sflag:$0x1] =	stream.indirect_vreg.gather [hbm4b:s7+s3], $0x80, v4, vm0, $0xb8;
	[tilespmem:$0x1E200] =	vst v63  }
0x2d1: {  	s22 =	simm.s32 $0x4A00  }
0x2d2: {  	[tilespmem:s22], [sflag:$0x1] =	stream.indirect_vreg.gather [hbm4b:s2+s3], $0x80, v3, vm0, $0xb8;
	[tilespmem:$0x1E200] =	vst v63  }
0x2d3: {  	s25 =	simm.s32 $0x5200  }
0x2d4: {  	[tilespmem:s25], [sflag:$0x1] =	stream.indirect_vreg.gather [hbm4b:s6+s3], $0x80, v3, vm0, $0xb8;
	[tilespmem:$0x1E200] =	vst v63  }
0x2d5: {  	s24 =	simm.s32 $0x5A00  }
0x2d6: {  	[tilespmem:s24], [sflag:$0x1] =	stream.indirect_vreg.gather [hbm4b:s7+s3], $0x80, v3, vm0, $0xb8;
	[tilespmem:$0x1E200] =	vst v63  }
0x2d7: {  	_ =	swait.ge [sflag:s5], $0x6000  }
0x2d8: {  	[sflag:s5] =	ssyncset.done $0x0  }
0x2d9: {  	s25 =	rddreg [dreg:$0x10];
	[sflag:s5] =	ssyncadd.s32 $0xFFFFA000  }
0x2da: {  	[hbm4b:s25+s3] =	stream.linear.scatter [tilespmem:s31], [sflag:$0x2], $0x6000, $0x38;
	[tilespmem:$0x1E200] =	vst v63  }
0x2db: {  	_ =	swait.ge [sflag:s5], $0x6000  }
0x2dc: {  	[sflag:s5] =	ssyncset.done $0x0  }
0x2dd: {  	s26 =	rddreg [dreg:$0x11];
	[sflag:s5] =	ssyncadd.s32 $0xFFFFA000  }
0x2de: {  	[hbm4b:s26+s3] =	stream.linear.scatter [tilespmem:s10], [sflag:$0x2], $0x6000, $0x38;
	[tilespmem:$0x1E200] =	vst v63  }
0x2df: {  	_ =	swait.ge [sflag:s5], $0x6000  }
0x2e0: {  	[sflag:s5] =	ssyncset.done $0x0  }
0x2e1: {  	s28 =	rddreg [dreg:$0x12];
	[sflag:s5] =	ssyncadd.s32 $0xFFFFA000  }
0x2e2: {  	[hbm4b:s28+s3] =	stream.linear.scatter [tilespmem:s9], [sflag:$0x2], $0x6000, $0x38;
	[tilespmem:$0x1E200] =	vst v63  }
0x2e3: {  	_ =	swait.ge [sflag:s5], $0x6000  }
0x2e4: {  	[sflag:s5] =	ssyncset.done $0x0  }
0x2e5: {  	s31 =	rddreg [dreg:$0x13];
	[sflag:s5] =	ssyncadd.s32 $0xFFFFA000  }
0x2e6: {  	[hbm4b:s31+s3] =	stream.linear.scatter [tilespmem:s1], [sflag:$0x2], $0x6000, $0x38;
	[tilespmem:$0x1E200] =	vst v63  }
0x2e7: {  	_ =	swait.ge [sflag:s29], $0x6000  }
0x2e8: {  	[sflag:s29] =	ssyncset.done $0x0  }
0x2e9: {  	[sflag:s29] =	ssyncadd.s32 $0xFFFFA000  }
0x2ea: {  	_ =	swait.ge [sflag:s29], $0x6000  }
0x2eb: {  	[sflag:s29] =	ssyncset.done $0x0  }
0x2ec: {  	[sflag:s29] =	ssyncadd.s32 $0xFFFFA000  }
0x2ed: {  	_ =	swait.ge [sflag:s29], $0x6000  }
0x2ee: {  	[sflag:s29] =	ssyncset.done $0x0  }
0x2ef: {  	[sflag:s29] =	ssyncadd.s32 $0xFFFFA000  }
0x2f0: {  	p0 =	sne.s32 s8, $0x1;
	_ =	swait.ge [sflag:s29], $0x6000  }
.Ltmp0:
0x2f1: {  	[sflag:s29] =	ssyncset.done $0x0;
	(pc) =	sbr.rel @p0 .LBB2_1-.Ltmp0, $4  }
0x2f2: {  	[sflag:s29] =	ssyncadd.s32 $0xFFFFA000  }
0x2f3: {  	_ =	swait.ge [sflag:s29], $0x6000  }
0x2f4: {  	[sflag:s29] =	ssyncset.done $0x0  }
0x2f5: {  	s8 =	sadd.s32 $0xFFFFFFFF, s8;
	[sflag:s29] =	ssyncadd.s32 $0xFFFFA000  }
0x2f6: {  	_ =	sfence.sel $0x180000  }
0x2f7: {  	[bflag:$0x0] =	sbarrier.arrive $0xFFFF  }
0x2f8: {  	_ =	strace $0x90000047  }
0x2f9: {  	s0 =	stileid.u32;
	[bflag:$0x2] =	sbarrier.arrive $0xFFFF  }
0x2fa: {  	p0 =	sne.s32 s0, $0x0;
	s0 =	rddreg [dreg:$0x3]  }
0x2fb: {  	s0 =	sadd.s32 @!p0 $0x100000, s0  }
0x2fc: {  	[sflag:s0] =	ssyncadd.tile.s32 @!p0 $0x1;
	_ =	shalt  }
.Lfunc_end2:
_tile_overlayer_lowered:
.L_overlay_start_2:
0x2fd: {  	(tag) =	ssettag $0x2  }
0x2fe: {  	s0 =	rddreg [dreg:$0x0];
	s2 =	stileid.u32  }
0x2ff: {  	s1 =	rddreg [dreg:$0x1];
	p0 =	sne.s32 s2, $0x0  }
0x300: {  	s3 =	rddreg [dreg:$0x2];
	[bflag:$0x3] =	sbarrier.arrive $0xFFFF;
	s2 =	simm.s32 @!p0 $0x1C03  }
0x301: {  	[timem:s3], [sflag:s2] =	dma.local @!p0 [hbm:s0], s1  }
0x302: {  	s0 =	simm.s32 @!p0 $0x3  }
0x303: {  	_ =	swait.ge @!p0 [sflag:s0], s1  }
0x304: {  	s1 =	ssub.s32 @!p0 $0x0, s1;
	[sflag:s0] =	ssyncset.done @!p0 $0x0  }
0x305: {  	[sflag:s0] =	ssyncadd.s32 @!p0 s1  }
0x306: {  	[bflag:$0x3] =	sbarrier.arrive $0xFFFF  }
0x307: {  	_ =	shalt  }

</sc_bundles>
